<compile_context>
chip_gen: v7x
topology: tpu7x:2x2x1
jax: 0.10.2.dev20260603
libtpu: 0.0.44.dev20260713+nightly
codegen_flags: <defaults>
</compile_context>

<pallas_src>
import functools

import jax
import jax.numpy as jnp
from jax import lax
from jax.experimental import pallas as pl
from jax.experimental.pallas import tpu as pltpu
from jax.experimental.pallas import tpu_sc as plsc

BATCH = 16384
VOCAB = 1000000
HIDDEN = 64
_GRP = 8

_info = plsc.get_sparse_core_info()
_NC, _NS, _L = _info.num_cores, _info.num_subcores, _info.num_lanes
_NW = _NC * _NS
_BPW = BATCH // _NW

_mesh = plsc.VectorSubcoreMesh(core_axis_name="c", subcore_axis_name="s")


@functools.partial(
    pl.kernel,
    mesh=_mesh,
    out_type=jax.ShapeDtypeStruct((BATCH, HIDDEN), jnp.float32),
    scratch_types=[
        pltpu.VMEM((_BPW,), jnp.int32),
        pltpu.VMEM((_BPW,), jnp.float32),
        pltpu.VMEM((_BPW, HIDDEN), jnp.float32),
        pltpu.SemaphoreType.DMA,
    ],
)
def _scale_gather(time_hbm, word_hbm, table3_hbm, out_hbm,
                  widx_v, time_v, rows_v, sem):
    wid = lax.axis_index("s") * _NC + lax.axis_index("c")
    base = wid * _BPW
    pltpu.sync_copy(word_hbm.at[pl.ds(base, _BPW)], widx_v)
    pltpu.sync_copy(time_hbm.at[pl.ds(base, _BPW)], time_v)

    def issue_body(g, _):
        wv = widx_v[pl.ds(g * _L, _L)]
        bv = jnp.right_shift(wv, 3)
        sv = jnp.bitwise_and(wv, _GRP - 1)
        for r2 in range(_L):
            pltpu.async_copy(
                table3_hbm.at[bv[r2], sv[r2]],
                rows_v.at[g * _L + r2],
                sem,
            )
        return ()

    lax.fori_loop(0, _BPW // _L, issue_body, ())
    pltpu.make_async_copy(out_hbm.at[pl.ds(base, _BPW)], rows_v, sem).wait()

    def scale_body(g, _):
        tvec = time_v[pl.ds(g * _L, _L)]
        for r2 in range(_L):
            t = jnp.full((_L,), tvec[r2])
            r = g * _L + r2
            for j in range(HIDDEN // _L):
                sl = pl.ds(j * _L, _L)
                rows_v[r, sl] = rows_v[r, sl] * t
        return ()

    lax.fori_loop(0, _BPW // _L, scale_body, ())
    pltpu.sync_copy(rows_v, out_hbm.at[pl.ds(base, _BPW)])


def kernel(_time, word, para_embedding):
    table3 = jnp.reshape(para_embedding, (VOCAB // _GRP, _GRP, HIDDEN))
    return _scale_gather(_time, word.astype(jnp.int32), table3)

# --- scband reference (transcript-rebuilt; emitter-appended) ---
"""Pipeline reference for scband-wordaware-encoder-62354335203884 (READ-ONLY COPY).

The authoritative reference and input builder live on the scoring server;
editing this copy changes nothing except your own understanding.
"""

import jax, jax.numpy as jnp
import numpy as np

BATCH = 16384
VOCAB = 1000000
HIDDEN = 64

def setup_inputs(seed: int = 0) -> dict:
    key = jax.random.key(seed)
    k1, k2, k3 = jax.random.split(key, 3)
    _time = jax.random.uniform(k1, (BATCH,), dtype=jnp.float32)
    word = jax.random.randint(k2, (BATCH,), 0, VOCAB, dtype=jnp.int64) if jax.config.jax_enable_x64 else jax.random.randint(k2, (BATCH,), 0, VOCAB, dtype=jnp.int32)
    para_embedding = jax.random.normal(k3, (VOCAB, HIDDEN), dtype=jnp.float32)
    return {"_time": _time, "word": word, "para_embedding": para_embedding}

def reference(_time, word, para_embedding):
    # WordawareEncoder.forward with operator='linear', add_phase_shift=False:
    #   time = _time.unsqueeze(-1).repeat([1, hidden_size])
    #   return self.para_embedding(word) * time
    time = jnp.repeat(_time[:, None], HIDDEN, axis=1)
    emb = jnp.take(para_embedding, word, axis=0)
    return emb * time

if __name__ == "__main__":
    import jax
    _d = setup_inputs()
    print(jax.jit(kernel)(*tuple(_d.values())))

</pallas_src>

<mosaic_0001>
#map = affine_map<(d0, d1) -> (0)>
#map1 = affine_map<(d0, d1) -> (0, 0, 0)>
#map2 = affine_map<(d0, d1) -> (0, 0)>
module attributes {stable_mosaic.version = 14 : i64} {
  func.func @_scale_gather(%arg0: i32, %arg1: i32, %arg2: memref<16384xf32, #tpu.memory_space<hbm>>, %arg3: memref<16384xi32, #tpu.memory_space<hbm>>, %arg4: memref<125000x8x64xf32, #tpu.memory_space<hbm>>, %arg5: memref<16384x64xf32, #tpu.memory_space<hbm>>, %arg6: memref<512xi32, #tpu.memory_space<vmem>>, %arg7: memref<512xf32, #tpu.memory_space<vmem>>, %arg8: memref<512x64xf32, #tpu.memory_space<vmem>>, %arg9: memref<!tpu.dma_semaphore, #tpu.memory_space<semaphore_mem>>) attributes {dimension_semantics = [#tpu.dimension_semantics<core_parallel>, #tpu.dimension_semantics<subcore_parallel>], iteration_bounds = array<i64: 2, 16>, scalar_prefetch = 0 : i64, scratch_operands = 4 : i64, tpu.core_type = #tpu.core_type<sc_vector_subcore>, window_params = [{transform_indices = #map}, {transform_indices = #map}, {transform_indices = #map1}, {transform_indices = #map2}]} {
    %mul3A = arith.constant 2 : i32
    %mul3A_0 = arith.muli %arg1, %mul3A : i32
    %add3A = arith.addi %mul3A_0, %arg0 : i32
    %mul3A_1 = arith.constant 512 : i32
    %mul3A_2 = arith.muli %add3A, %mul3A_1 : i32
    "tpu.region"() ({
      %run_scoped3A = tpu.sem_alloc : memref<!tpu.dma_semaphore, #tpu.memory_space<semaphore_mem>>
      %dma_start3A = tpu.memref_slice %arg3[%mul3A_2] : memref<16384xi32, #tpu.memory_space<hbm>> -> memref<512xi32, #tpu.memory_space<hbm>>
      %dma_start3A_15 = tpu.memref_slice %arg3[%mul3A_2] : memref<16384xi32, #tpu.memory_space<hbm>> -> memref<512xi32, #tpu.memory_space<hbm>>
      tpu.enqueue_dma source(%dma_start3A_15 : memref<512xi32, #tpu.memory_space<hbm>>) target(%arg6 : memref<512xi32, #tpu.memory_space<vmem>>) target_semaphore(%run_scoped3A : memref<!tpu.dma_semaphore, #tpu.memory_space<semaphore_mem>>)
      %dma_wait3A_16 = tpu.memref_slice %arg3[%mul3A_2] : memref<16384xi32, #tpu.memory_space<hbm>> -> memref<512xi32, #tpu.memory_space<hbm>>
      %dma_wait3A_17 = tpu.memref_slice %arg3[%mul3A_2] : memref<16384xi32, #tpu.memory_space<hbm>> -> memref<512xi32, #tpu.memory_space<hbm>>
      tpu.wait_dma2 semaphore(%run_scoped3A : memref<!tpu.dma_semaphore, #tpu.memory_space<semaphore_mem>>) src(%dma_wait3A_17 : memref<512xi32, #tpu.memory_space<hbm>>) dst(%arg6 : memref<512xi32, #tpu.memory_space<vmem>>)
      tpu.yield
    }) : () -> ()
    "tpu.region"() ({
      %run_scoped3A = tpu.sem_alloc : memref<!tpu.dma_semaphore, #tpu.memory_space<semaphore_mem>>
      %dma_start3A = tpu.memref_slice %arg2[%mul3A_2] : memref<16384xf32, #tpu.memory_space<hbm>> -> memref<512xf32, #tpu.memory_space<hbm>>
      %dma_start3A_15 = tpu.memref_slice %arg2[%mul3A_2] : memref<16384xf32, #tpu.memory_space<hbm>> -> memref<512xf32, #tpu.memory_space<hbm>>
      tpu.enqueue_dma source(%dma_start3A_15 : memref<512xf32, #tpu.memory_space<hbm>>) target(%arg7 : memref<512xf32, #tpu.memory_space<vmem>>) target_semaphore(%run_scoped3A : memref<!tpu.dma_semaphore, #tpu.memory_space<semaphore_mem>>)
      %dma_wait3A_16 = tpu.memref_slice %arg2[%mul3A_2] : memref<16384xf32, #tpu.memory_space<hbm>> -> memref<512xf32, #tpu.memory_space<hbm>>
      %dma_wait3A_17 = tpu.memref_slice %arg2[%mul3A_2] : memref<16384xf32, #tpu.memory_space<hbm>> -> memref<512xf32, #tpu.memory_space<hbm>>
      tpu.wait_dma2 semaphore(%run_scoped3A : memref<!tpu.dma_semaphore, #tpu.memory_space<semaphore_mem>>) src(%dma_wait3A_17 : memref<512xf32, #tpu.memory_space<hbm>>) dst(%arg7 : memref<512xf32, #tpu.memory_space<vmem>>)
      tpu.yield
    }) : () -> ()
    %scan3A = arith.constant 0 : i32
    %scan3A_3 = arith.constant 32 : i32
    %scan3A_4 = arith.addi %scan3A, %scan3A_3 : i32
    %scan3A_5 = arith.constant 1 : i32
    scf.for %scan3A_15 = %scan3A to %scan3A_4 step %scan3A_5  : i32 {
      %mul3A_16 = arith.constant 16 : i32
      %mul3A_17 = arith.muli %scan3A_15, %mul3A_16 : i32
      %get3A = arith.index_cast %mul3A_17 : i32 to index
      %get3A_18 = tpu.vector_load %arg6[%get3A] {strides = array<i32>} : memref<512xi32, #tpu.memory_space<vmem>>, vector<16xi32>,
      %get3A_19 = vector.shape_cast %get3A_18 : vector<16xi32> to vector<16xi32>
      %shift_right_arithmetic3A = arith.constant 3 : i32
      %shift_right_arithmetic3A_20 = vector.broadcast %shift_right_arithmetic3A : i32 to vector<16xi32>
      %shift_right_arithmetic3A_21 = arith.shrsi %get3A_19, %shift_right_arithmetic3A_20 : vector<16xi32>
      %and3A = arith.constant 7 : i32
      %and3A_22 = vector.broadcast %and3A : i32 to vector<16xi32>
      %and3A_23 = arith.andi %get3A_19, %and3A_22 : vector<16xi32>
      %slice3A = vector.extract_strided_slice %shift_right_arithmetic3A_21 {offsets = [0], sizes = [1], strides = [1]} : vector<16xi32> to vector<1xi32>
      %squeeze3A = vector.extract %slice3A[0] : i32 from vector<1xi32>
      %slice3A_24 = vector.extract_strided_slice %and3A_23 {offsets = [0], sizes = [1], strides = [1]} : vector<16xi32> to vector<1xi32>
      %squeeze3A_25 = vector.extract %slice3A_24[0] : i32 from vector<1xi32>
      %mul3A_26 = arith.constant 16 : i32
      %mul3A_27 = arith.muli %scan3A_15, %mul3A_26 : i32
      %add3A_28 = arith.constant 0 : i32
      %add3A_29 = arith.addi %mul3A_27, %add3A_28 : i32
      %dma_start3A = arith.constant 0 : i32
      %dma_start3A_30 = tpu.memref_slice %arg8[%add3A_29, %dma_start3A] : memref<512x64xf32, #tpu.memory_space<vmem>> -> memref<1x64xf32, #tpu.memory_space<vmem>>
      %dma_start3A_31 = tpu.memref_squeeze %dma_start3A_30 : memref<1x64xf32, #tpu.memory_space<vmem>> -> memref<64xf32, #tpu.memory_space<vmem>>
      %dma_start3A_32 = arith.constant 0 : i32
      %dma_start3A_33 = tpu.memref_slice %arg4[%squeeze3A, %squeeze3A_25, %dma_start3A_32] : memref<125000x8x64xf32, #tpu.memory_space<hbm>> -> memref<1x1x64xf32, #tpu.memory_space<hbm>>
      %dma_start3A_34 = tpu.memref_squeeze %dma_start3A_33 : memref<1x1x64xf32, #tpu.memory_space<hbm>> -> memref<64xf32, #tpu.memory_space<hbm>>
      %dma_start3A_35 = arith.constant 0 : i32
      %dma_start3A_36 = tpu.memref_slice %arg8[%add3A_29, %dma_start3A_35] : memref<512x64xf32, #tpu.memory_space<vmem>> -> memref<1x64xf32, #tpu.memory_space<vmem>>
      %dma_start3A_37 = tpu.memref_squeeze %dma_start3A_36 : memref<1x64xf32, #tpu.memory_space<vmem>> -> memref<64xf32, #tpu.memory_space<vmem>>
      %dma_start3A_38 = arith.constant 0 : i32
      %dma_start3A_39 = tpu.memref_slice %arg4[%squeeze3A, %squeeze3A_25, %dma_start3A_38] : memref<125000x8x64xf32, #tpu.memory_space<hbm>> -> memref<1x1x64xf32, #tpu.memory_space<hbm>>
      %dma_start3A_40 = tpu.memref_squeeze %dma_start3A_39 : memref<1x1x64xf32, #tpu.memory_space<hbm>> -> memref<64xf32, #tpu.memory_space<hbm>>
      tpu.enqueue_dma source(%dma_start3A_40 : memref<64xf32, #tpu.memory_space<hbm>>) target(%dma_start3A_37 : memref<64xf32, #tpu.memory_space<vmem>>) target_semaphore(%arg9 : memref<!tpu.dma_semaphore, #tpu.memory_space<semaphore_mem>>)
      %slice3A_41 = vector.extract_strided_slice %shift_right_arithmetic3A_21 {offsets = [1], sizes = [1], strides = [1]} : vector<16xi32> to vector<1xi32>
      %squeeze3A_42 = vector.extract %slice3A_41[0] : i32 from vector<1xi32>
      %slice3A_43 = vector.extract_strided_slice %and3A_23 {offsets = [1], sizes = [1], strides = [1]} : vector<16xi32> to vector<1xi32>
      %squeeze3A_44 = vector.extract %slice3A_43[0] : i32 from vector<1xi32>
      %mul3A_45 = arith.constant 16 : i32
      %mul3A_46 = arith.muli %scan3A_15, %mul3A_45 : i32
      %add3A_47 = arith.constant 1 : i32
      %add3A_48 = arith.addi %mul3A_46, %add3A_47 : i32
      %dma_start3A_49 = arith.constant 0 : i32
      %dma_start3A_50 = tpu.memref_slice %arg8[%add3A_48, %dma_start3A_49] : memref<512x64xf32, #tpu.memory_space<vmem>> -> memref<1x64xf32, #tpu.memory_space<vmem>>
      %dma_start3A_51 = tpu.memref_squeeze %dma_start3A_50 : memref<1x64xf32, #tpu.memory_space<vmem>> -> memref<64xf32, #tpu.memory_space<vmem>>
      %dma_start3A_52 = arith.constant 0 : i32
      %dma_start3A_53 = tpu.memref_slice %arg4[%squeeze3A_42, %squeeze3A_44, %dma_start3A_52] : memref<125000x8x64xf32, #tpu.memory_space<hbm>> -> memref<1x1x64xf32, #tpu.memory_space<hbm>>
      %dma_start3A_54 = tpu.memref_squeeze %dma_start3A_53 : memref<1x1x64xf32, #tpu.memory_space<hbm>> -> memref<64xf32, #tpu.memory_space<hbm>>
      %dma_start3A_55 = arith.constant 0 : i32
      %dma_start3A_56 = tpu.memref_slice %arg8[%add3A_48, %dma_start3A_55] : memref<512x64xf32, #tpu.memory_space<vmem>> -> memref<1x64xf32, #tpu.memory_space<vmem>>
      %dma_start3A_57 = tpu.memref_squeeze %dma_start3A_56 : memref<1x64xf32, #tpu.memory_space<vmem>> -> memref<64xf32, #tpu.memory_space<vmem>>
      %dma_start3A_58 = arith.constant 0 : i32
      %dma_start3A_59 = tpu.memref_slice %arg4[%squeeze3A_42, %squeeze3A_44, %dma_start3A_58] : memref<125000x8x64xf32, #tpu.memory_space<hbm>> -> memref<1x1x64xf32, #tpu.memory_space<hbm>>
      %dma_start3A_60 = tpu.memref_squeeze %dma_start3A_59 : memref<1x1x64xf32, #tpu.memory_space<hbm>> -> memref<64xf32, #tpu.memory_space<hbm>>
      tpu.enqueue_dma source(%dma_start3A_60 : memref<64xf32, #tpu.memory_space<hbm>>) target(%dma_start3A_57 : memref<64xf32, #tpu.memory_space<vmem>>) target_semaphore(%arg9 : memref<!tpu.dma_semaphore, #tpu.memory_space<semaphore_mem>>)
      %slice3A_61 = vector.extract_strided_slice %shift_right_arithmetic3A_21 {offsets = [2], sizes = [1], strides = [1]} : vector<16xi32> to vector<1xi32>
      %squeeze3A_62 = vector.extract %slice3A_61[0] : i32 from vector<1xi32>
      %slice3A_63 = vector.extract_strided_slice %and3A_23 {offsets = [2], sizes = [1], strides = [1]} : vector<16xi32> to vector<1xi32>
      %squeeze3A_64 = vector.extract %slice3A_63[0] : i32 from vector<1xi32>
      %mul3A_65 = arith.constant 16 : i32
      %mul3A_66 = arith.muli %scan3A_15, %mul3A_65 : i32
      %add3A_67 = arith.constant 2 : i32
      %add3A_68 = arith.addi %mul3A_66, %add3A_67 : i32
      %dma_start3A_69 = arith.constant 0 : i32
      %dma_start3A_70 = tpu.memref_slice %arg8[%add3A_68, %dma_start3A_69] : memref<512x64xf32, #tpu.memory_space<vmem>> -> memref<1x64xf32, #tpu.memory_space<vmem>>
      %dma_start3A_71 = tpu.memref_squeeze %dma_start3A_70 : memref<1x64xf32, #tpu.memory_space<vmem>> -> memref<64xf32, #tpu.memory_space<vmem>>
      %dma_start3A_72 = arith.constant 0 : i32
      %dma_start3A_73 = tpu.memref_slice %arg4[%squeeze3A_62, %squeeze3A_64, %dma_start3A_72] : memref<125000x8x64xf32, #tpu.memory_space<hbm>> -> memref<1x1x64xf32, #tpu.memory_space<hbm>>
      %dma_start3A_74 = tpu.memref_squeeze %dma_start3A_73 : memref<1x1x64xf32, #tpu.memory_space<hbm>> -> memref<64xf32, #tpu.memory_space<hbm>>
      %dma_start3A_75 = arith.constant 0 : i32
      %dma_start3A_76 = tpu.memref_slice %arg8[%add3A_68, %dma_start3A_75] : memref<512x64xf32, #tpu.memory_space<vmem>> -> memref<1x64xf32, #tpu.memory_space<vmem>>
      %dma_start3A_77 = tpu.memref_squeeze %dma_start3A_76 : memref<1x64xf32, #tpu.memory_space<vmem>> -> memref<64xf32, #tpu.memory_space<vmem>>
      %dma_start3A_78 = arith.constant 0 : i32
      %dma_start3A_79 = tpu.memref_slice %arg4[%squeeze3A_62, %squeeze3A_64, %dma_start3A_78] : memref<125000x8x64xf32, #tpu.memory_space<hbm>> -> memref<1x1x64xf32, #tpu.memory_space<hbm>>
      %dma_start3A_80 = tpu.memref_squeeze %dma_start3A_79 : memref<1x1x64xf32, #tpu.memory_space<hbm>> -> memref<64xf32, #tpu.memory_space<hbm>>
      tpu.enqueue_dma source(%dma_start3A_80 : memref<64xf32, #tpu.memory_space<hbm>>) target(%dma_start3A_77 : memref<64xf32, #tpu.memory_space<vmem>>) target_semaphore(%arg9 : memref<!tpu.dma_semaphore, #tpu.memory_space<semaphore_mem>>)
      %slice3A_81 = vector.extract_strided_slice %shift_right_arithmetic3A_21 {offsets = [3], sizes = [1], strides = [1]} : vector<16xi32> to vector<1xi32>
      %squeeze3A_82 = vector.extract %slice3A_81[0] : i32 from vector<1xi32>
      %slice3A_83 = vector.extract_strided_slice %and3A_23 {offsets = [3], sizes = [1], strides = [1]} : vector<16xi32> to vector<1xi32>
      %squeeze3A_84 = vector.extract %slice3A_83[0] : i32 from vector<1xi32>
      %mul3A_85 = arith.constant 16 : i32
      %mul3A_86 = arith.muli %scan3A_15, %mul3A_85 : i32
      %add3A_87 = arith.constant 3 : i32
      %add3A_88 = arith.addi %mul3A_86, %add3A_87 : i32
      %dma_start3A_89 = arith.constant 0 : i32
      %dma_start3A_90 = tpu.memref_slice %arg8[%add3A_88, %dma_start3A_89] : memref<512x64xf32, #tpu.memory_space<vmem>> -> memref<1x64xf32, #tpu.memory_space<vmem>>
      %dma_start3A_91 = tpu.memref_squeeze %dma_start3A_90 : memref<1x64xf32, #tpu.memory_space<vmem>> -> memref<64xf32, #tpu.memory_space<vmem>>
      %dma_start3A_92 = arith.constant 0 : i32
      %dma_start3A_93 = tpu.memref_slice %arg4[%squeeze3A_82, %squeeze3A_84, %dma_start3A_92] : memref<125000x8x64xf32, #tpu.memory_space<hbm>> -> memref<1x1x64xf32, #tpu.memory_space<hbm>>
      %dma_start3A_94 = tpu.memref_squeeze %dma_start3A_93 : memref<1x1x64xf32, #tpu.memory_space<hbm>> -> memref<64xf32, #tpu.memory_space<hbm>>
      %dma_start3A_95 = arith.constant 0 : i32
      %dma_start3A_96 = tpu.memref_slice %arg8[%add3A_88, %dma_start3A_95] : memref<512x64xf32, #tpu.memory_space<vmem>> -> memref<1x64xf32, #tpu.memory_space<vmem>>
      %dma_start3A_97 = tpu.memref_squeeze %dma_start3A_96 : memref<1x64xf32, #tpu.memory_space<vmem>> -> memref<64xf32, #tpu.memory_space<vmem>>
      %dma_start3A_98 = arith.constant 0 : i32
      %dma_start3A_99 = tpu.memref_slice %arg4[%squeeze3A_82, %squeeze3A_84, %dma_start3A_98] : memref<125000x8x64xf32, #tpu.memory_space<hbm>> -> memref<1x1x64xf32, #tpu.memory_space<hbm>>
      %dma_start3A_100 = tpu.memref_squeeze %dma_start3A_99 : memref<1x1x64xf32, #tpu.memory_space<hbm>> -> memref<64xf32, #tpu.memory_space<hbm>>
      tpu.enqueue_dma source(%dma_start3A_100 : memref<64xf32, #tpu.memory_space<hbm>>) target(%dma_start3A_97 : memref<64xf32, #tpu.memory_space<vmem>>) target_semaphore(%arg9 : memref<!tpu.dma_semaphore, #tpu.memory_space<semaphore_mem>>)
      %slice3A_101 = vector.extract_strided_slice %shift_right_arithmetic3A_21 {offsets = [4], sizes = [1], strides = [1]} : vector<16xi32> to vector<1xi32>
      %squeeze3A_102 = vector.extract %slice3A_101[0] : i32 from vector<1xi32>
      %slice3A_103 = vector.extract_strided_slice %and3A_23 {offsets = [4], sizes = [1], strides = [1]} : vector<16xi32> to vector<1xi32>
      %squeeze3A_104 = vector.extract %slice3A_103[0] : i32 from vector<1xi32>
      %mul3A_105 = arith.constant 16 : i32
      %mul3A_106 = arith.muli %scan3A_15, %mul3A_105 : i32
      %add3A_107 = arith.constant 4 : i32
      %add3A_108 = arith.addi %mul3A_106, %add3A_107 : i32
      %dma_start3A_109 = arith.constant 0 : i32
      %dma_start3A_110 = tpu.memref_slice %arg8[%add3A_108, %dma_start3A_109] : memref<512x64xf32, #tpu.memory_space<vmem>> -> memref<1x64xf32, #tpu.memory_space<vmem>>
      %dma_start3A_111 = tpu.memref_squeeze %dma_start3A_110 : memref<1x64xf32, #tpu.memory_space<vmem>> -> memref<64xf32, #tpu.memory_space<vmem>>
      %dma_start3A_112 = arith.constant 0 : i32
      %dma_start3A_113 = tpu.memref_slice %arg4[%squeeze3A_102, %squeeze3A_104, %dma_start3A_112] : memref<125000x8x64xf32, #tpu.memory_space<hbm>> -> memref<1x1x64xf32, #tpu.memory_space<hbm>>
      %dma_start3A_114 = tpu.memref_squeeze %dma_start3A_113 : memref<1x1x64xf32, #tpu.memory_space<hbm>> -> memref<64xf32, #tpu.memory_space<hbm>>
      %dma_start3A_115 = arith.constant 0 : i32
      %dma_start3A_116 = tpu.memref_slice %arg8[%add3A_108, %dma_start3A_115] : memref<512x64xf32, #tpu.memory_space<vmem>> -> memref<1x64xf32, #tpu.memory_space<vmem>>
      %dma_start3A_117 = tpu.memref_squeeze %dma_start3A_116 : memref<1x64xf32, #tpu.memory_space<vmem>> -> memref<64xf32, #tpu.memory_space<vmem>>
      %dma_start3A_118 = arith.constant 0 : i32
      %dma_start3A_119 = tpu.memref_slice %arg4[%squeeze3A_102, %squeeze3A_104, %dma_start3A_118] : memref<125000x8x64xf32, #tpu.memory_space<hbm>> -> memref<1x1x64xf32, #tpu.memory_space<hbm>>
      %dma_start3A_120 = tpu.memref_squeeze %dma_start3A_119 : memref<1x1x64xf32, #tpu.memory_space<hbm>> -> memref<64xf32, #tpu.memory_space<hbm>>
      tpu.enqueue_dma source(%dma_start3A_120 : memref<64xf32, #tpu.memory_space<hbm>>) target(%dma_start3A_117 : memref<64xf32, #tpu.memory_space<vmem>>) target_semaphore(%arg9 : memref<!tpu.dma_semaphore, #tpu.memory_space<semaphore_mem>>)
      %slice3A_121 = vector.extract_strided_slice %shift_right_arithmetic3A_21 {offsets = [5], sizes = [1], strides = [1]} : vector<16xi32> to vector<1xi32>
      %squeeze3A_122 = vector.extract %slice3A_121[0] : i32 from vector<1xi32>
      %slice3A_123 = vector.extract_strided_slice %and3A_23 {offsets = [5], sizes = [1], strides = [1]} : vector<16xi32> to vector<1xi32>
      %squeeze3A_124 = vector.extract %slice3A_123[0] : i32 from vector<1xi32>
      %mul3A_125 = arith.constant 16 : i32
      %mul3A_126 = arith.muli %scan3A_15, %mul3A_125 : i32
      %add3A_127 = arith.constant 5 : i32
      %add3A_128 = arith.addi %mul3A_126, %add3A_127 : i32
      %dma_start3A_129 = arith.constant 0 : i32
      %dma_start3A_130 = tpu.memref_slice %arg8[%add3A_128, %dma_start3A_129] : memref<512x64xf32, #tpu.memory_space<vmem>> -> memref<1x64xf32, #tpu.memory_space<vmem>>
      %dma_start3A_131 = tpu.memref_squeeze %dma_start3A_130 : memref<1x64xf32, #tpu.memory_space<vmem>> -> memref<64xf32, #tpu.memory_space<vmem>>
      %dma_start3A_132 = arith.constant 0 : i32
      %dma_start3A_133 = tpu.memref_slice %arg4[%squeeze3A_122, %squeeze3A_124, %dma_start3A_132] : memref<125000x8x64xf32, #tpu.memory_space<hbm>> -> memref<1x1x64xf32, #tpu.memory_space<hbm>>
      %dma_start3A_134 = tpu.memref_squeeze %dma_start3A_133 : memref<1x1x64xf32, #tpu.memory_space<hbm>> -> memref<64xf32, #tpu.memory_space<hbm>>
      %dma_start3A_135 = arith.constant 0 : i32
      %dma_start3A_136 = tpu.memref_slice %arg8[%add3A_128, %dma_start3A_135] : memref<512x64xf32, #tpu.memory_space<vmem>> -> memref<1x64xf32, #tpu.memory_space<vmem>>
      %dma_start3A_137 = tpu.memref_squeeze %dma_start3A_136 : memref<1x64xf32, #tpu.memory_space<vmem>> -> memref<64xf32, #tpu.memory_space<vmem>>
      %dma_start3A_138 = arith.constant 0 : i32
      %dma_start3A_139 = tpu.memref_slice %arg4[%squeeze3A_122, %squeeze3A_124, %dma_start3A_138] : memref<125000x8x64xf32, #tpu.memory_space<hbm>> -> memref<1x1x64xf32, #tpu.memory_space<hbm>>
      %dma_start3A_140 = tpu.memref_squeeze %dma_start3A_139 : memref<1x1x64xf32, #tpu.memory_space<hbm>> -> memref<64xf32, #tpu.memory_space<hbm>>
      tpu.enqueue_dma source(%dma_start3A_140 : memref<64xf32, #tpu.memory_space<hbm>>) target(%dma_start3A_137 : memref<64xf32, #tpu.memory_space<vmem>>) target_semaphore(%arg9 : memref<!tpu.dma_semaphore, #tpu.memory_space<semaphore_mem>>)
      %slice3A_141 = vector.extract_strided_slice %shift_right_arithmetic3A_21 {offsets = [6], sizes = [1], strides = [1]} : vector<16xi32> to vector<1xi32>
      %squeeze3A_142 = vector.extract %slice3A_141[0] : i32 from vector<1xi32>
      %slice3A_143 = vector.extract_strided_slice %and3A_23 {offsets = [6], sizes = [1], strides = [1]} : vector<16xi32> to vector<1xi32>
      %squeeze3A_144 = vector.extract %slice3A_143[0] : i32 from vector<1xi32>
      %mul3A_145 = arith.constant 16 : i32
      %mul3A_146 = arith.muli %scan3A_15, %mul3A_145 : i32
      %add3A_147 = arith.constant 6 : i32
      %add3A_148 = arith.addi %mul3A_146, %add3A_147 : i32
      %dma_start3A_149 = arith.constant 0 : i32
      %dma_start3A_150 = tpu.memref_slice %arg8[%add3A_148, %dma_start3A_149] : memref<512x64xf32, #tpu.memory_space<vmem>> -> memref<1x64xf32, #tpu.memory_space<vmem>>
      %dma_start3A_151 = tpu.memref_squeeze %dma_start3A_150 : memref<1x64xf32, #tpu.memory_space<vmem>> -> memref<64xf32, #tpu.memory_space<vmem>>
      %dma_start3A_152 = arith.constant 0 : i32
      %dma_start3A_153 = tpu.memref_slice %arg4[%squeeze3A_142, %squeeze3A_144, %dma_start3A_152] : memref<125000x8x64xf32, #tpu.memory_space<hbm>> -> memref<1x1x64xf32, #tpu.memory_space<hbm>>
      %dma_start3A_154 = tpu.memref_squeeze %dma_start3A_153 : memref<1x1x64xf32, #tpu.memory_space<hbm>> -> memref<64xf32, #tpu.memory_space<hbm>>
      %dma_start3A_155 = arith.constant 0 : i32
      %dma_start3A_156 = tpu.memref_slice %arg8[%add3A_148, %dma_start3A_155] : memref<512x64xf32, #tpu.memory_space<vmem>> -> memref<1x64xf32, #tpu.memory_space<vmem>>
      %dma_start3A_157 = tpu.memref_squeeze %dma_start3A_156 : memref<1x64xf32, #tpu.memory_space<vmem>> -> memref<64xf32, #tpu.memory_space<vmem>>
      %dma_start3A_158 = arith.constant 0 : i32
      %dma_start3A_159 = tpu.memref_slice %arg4[%squeeze3A_142, %squeeze3A_144, %dma_start3A_158] : memref<125000x8x64xf32, #tpu.memory_space<hbm>> -> memref<1x1x64xf32, #tpu.memory_space<hbm>>
      %dma_start3A_160 = tpu.memref_squeeze %dma_start3A_159 : memref<1x1x64xf32, #tpu.memory_space<hbm>> -> memref<64xf32, #tpu.memory_space<hbm>>
      tpu.enqueue_dma source(%dma_start3A_160 : memref<64xf32, #tpu.memory_space<hbm>>) target(%dma_start3A_157 : memref<64xf32, #tpu.memory_space<vmem>>) target_semaphore(%arg9 : memref<!tpu.dma_semaphore, #tpu.memory_space<semaphore_mem>>)
      %slice3A_161 = vector.extract_strided_slice %shift_right_arithmetic3A_21 {offsets = [7], sizes = [1], strides = [1]} : vector<16xi32> to vector<1xi32>
      %squeeze3A_162 = vector.extract %slice3A_161[0] : i32 from vector<1xi32>
      %slice3A_163 = vector.extract_strided_slice %and3A_23 {offsets = [7], sizes = [1], strides = [1]} : vector<16xi32> to vector<1xi32>
      %squeeze3A_164 = vector.extract %slice3A_163[0] : i32 from vector<1xi32>
      %mul3A_165 = arith.constant 16 : i32
      %mul3A_166 = arith.muli %scan3A_15, %mul3A_165 : i32
      %add3A_167 = arith.constant 7 : i32
      %add3A_168 = arith.addi %mul3A_166, %add3A_167 : i32
      %dma_start3A_169 = arith.constant 0 : i32
      %dma_start3A_170 = tpu.memref_slice %arg8[%add3A_168, %dma_start3A_169] : memref<512x64xf32, #tpu.memory_space<vmem>> -> memref<1x64xf32, #tpu.memory_space<vmem>>
      %dma_start3A_171 = tpu.memref_squeeze %dma_start3A_170 : memref<1x64xf32, #tpu.memory_space<vmem>> -> memref<64xf32, #tpu.memory_space<vmem>>
      %dma_start3A_172 = arith.constant 0 : i32
      %dma_start3A_173 = tpu.memref_slice %arg4[%squeeze3A_162, %squeeze3A_164, %dma_start3A_172] : memref<125000x8x64xf32, #tpu.memory_space<hbm>> -> memref<1x1x64xf32, #tpu.memory_space<hbm>>
      %dma_start3A_174 = tpu.memref_squeeze %dma_start3A_173 : memref<1x1x64xf32, #tpu.memory_space<hbm>> -> memref<64xf32, #tpu.memory_space<hbm>>
      %dma_start3A_175 = arith.constant 0 : i32
      %dma_start3A_176 = tpu.memref_slice %arg8[%add3A_168, %dma_start3A_175] : memref<512x64xf32, #tpu.memory_space<vmem>> -> memref<1x64xf32, #tpu.memory_space<vmem>>
      %dma_start3A_177 = tpu.memref_squeeze %dma_start3A_176 : memref<1x64xf32, #tpu.memory_space<vmem>> -> memref<64xf32, #tpu.memory_space<vmem>>
      %dma_start3A_178 = arith.constant 0 : i32
      %dma_start3A_179 = tpu.memref_slice %arg4[%squeeze3A_162, %squeeze3A_164, %dma_start3A_178] : memref<125000x8x64xf32, #tpu.memory_space<hbm>> -> memref<1x1x64xf32, #tpu.memory_space<hbm>>
      %dma_start3A_180 = tpu.memref_squeeze %dma_start3A_179 : memref<1x1x64xf32, #tpu.memory_space<hbm>> -> memref<64xf32, #tpu.memory_space<hbm>>
      tpu.enqueue_dma source(%dma_start3A_180 : memref<64xf32, #tpu.memory_space<hbm>>) target(%dma_start3A_177 : memref<64xf32, #tpu.memory_space<vmem>>) target_semaphore(%arg9 : memref<!tpu.dma_semaphore, #tpu.memory_space<semaphore_mem>>)
      %slice3A_181 = vector.extract_strided_slice %shift_right_arithmetic3A_21 {offsets = [8], sizes = [1], strides = [1]} : vector<16xi32> to vector<1xi32>
      %squeeze3A_182 = vector.extract %slice3A_181[0] : i32 from vector<1xi32>
      %slice3A_183 = vector.extract_strided_slice %and3A_23 {offsets = [8], sizes = [1], strides = [1]} : vector<16xi32> to vector<1xi32>
      %squeeze3A_184 = vector.extract %slice3A_183[0] : i32 from vector<1xi32>
      %mul3A_185 = arith.constant 16 : i32
      %mul3A_186 = arith.muli %scan3A_15, %mul3A_185 : i32
      %add3A_187 = arith.constant 8 : i32
      %add3A_188 = arith.addi %mul3A_186, %add3A_187 : i32
      %dma_start3A_189 = arith.constant 0 : i32
      %dma_start3A_190 = tpu.memref_slice %arg8[%add3A_188, %dma_start3A_189] : memref<512x64xf32, #tpu.memory_space<vmem>> -> memref<1x64xf32, #tpu.memory_space<vmem>>
      %dma_start3A_191 = tpu.memref_squeeze %dma_start3A_190 : memref<1x64xf32, #tpu.memory_space<vmem>> -> memref<64xf32, #tpu.memory_space<vmem>>
      %dma_start3A_192 = arith.constant 0 : i32
      %dma_start3A_193 = tpu.memref_slice %arg4[%squeeze3A_182, %squeeze3A_184, %dma_start3A_192] : memref<125000x8x64xf32, #tpu.memory_space<hbm>> -> memref<1x1x64xf32, #tpu.memory_space<hbm>>
      %dma_start3A_194 = tpu.memref_squeeze %dma_start3A_193 : memref<1x1x64xf32, #tpu.memory_space<hbm>> -> memref<64xf32, #tpu.memory_space<hbm>>
      %dma_start3A_195 = arith.constant 0 : i32
      %dma_start3A_196 = tpu.memref_slice %arg8[%add3A_188, %dma_start3A_195] : memref<512x64xf32, #tpu.memory_space<vmem>> -> memref<1x64xf32, #tpu.memory_space<vmem>>
      %dma_start3A_197 = tpu.memref_squeeze %dma_start3A_196 : memref<1x64xf32, #tpu.memory_space<vmem>> -> memref<64xf32, #tpu.memory_space<vmem>>
      %dma_start3A_198 = arith.constant 0 : i32
      %dma_start3A_199 = tpu.memref_slice %arg4[%squeeze3A_182, %squeeze3A_184, %dma_start3A_198] : memref<125000x8x64xf32, #tpu.memory_space<hbm>> -> memref<1x1x64xf32, #tpu.memory_space<hbm>>
      %dma_start3A_200 = tpu.memref_squeeze %dma_start3A_199 : memref<1x1x64xf32, #tpu.memory_space<hbm>> -> memref<64xf32, #tpu.memory_space<hbm>>
      tpu.enqueue_dma source(%dma_start3A_200 : memref<64xf32, #tpu.memory_space<hbm>>) target(%dma_start3A_197 : memref<64xf32, #tpu.memory_space<vmem>>) target_semaphore(%arg9 : memref<!tpu.dma_semaphore, #tpu.memory_space<semaphore_mem>>)
      %slice3A_201 = vector.extract_strided_slice %shift_right_arithmetic3A_21 {offsets = [9], sizes = [1], strides = [1]} : vector<16xi32> to vector<1xi32>
      %squeeze3A_202 = vector.extract %slice3A_201[0] : i32 from vector<1xi32>
      %slice3A_203 = vector.extract_strided_slice %and3A_23 {offsets = [9], sizes = [1], strides = [1]} : vector<16xi32> to vector<1xi32>
      %squeeze3A_204 = vector.extract %slice3A_203[0] : i32 from vector<1xi32>
      %mul3A_205 = arith.constant 16 : i32
      %mul3A_206 = arith.muli %scan3A_15, %mul3A_205 : i32
      %add3A_207 = arith.constant 9 : i32
      %add3A_208 = arith.addi %mul3A_206, %add3A_207 : i32
      %dma_start3A_209 = arith.constant 0 : i32
      %dma_start3A_210 = tpu.memref_slice %arg8[%add3A_208, %dma_start3A_209] : memref<512x64xf32, #tpu.memory_space<vmem>> -> memref<1x64xf32, #tpu.memory_space<vmem>>
      %dma_start3A_211 = tpu.memref_squeeze %dma_start3A_210 : memref<1x64xf32, #tpu.memory_space<vmem>> -> memref<64xf32, #tpu.memory_space<vmem>>
      %dma_start3A_212 = arith.constant 0 : i32
      %dma_start3A_213 = tpu.memref_slice %arg4[%squeeze3A_202, %squeeze3A_204, %dma_start3A_212] : memref<125000x8x64xf32, #tpu.memory_space<hbm>> -> memref<1x1x64xf32, #tpu.memory_space<hbm>>
      %dma_start3A_214 = tpu.memref_squeeze %dma_start3A_213 : memref<1x1x64xf32, #tpu.memory_space<hbm>> -> memref<64xf32, #tpu.memory_space<hbm>>
      %dma_start3A_215 = arith.constant 0 : i32
      %dma_start3A_216 = tpu.memref_slice %arg8[%add3A_208, %dma_start3A_215] : memref<512x64xf32, #tpu.memory_space<vmem>> -> memref<1x64xf32, #tpu.memory_space<vmem>>
      %dma_start3A_217 = tpu.memref_squeeze %dma_start3A_216 : memref<1x64xf32, #tpu.memory_space<vmem>> -> memref<64xf32, #tpu.memory_space<vmem>>
      %dma_start3A_218 = arith.constant 0 : i32
      %dma_start3A_219 = tpu.memref_slice %arg4[%squeeze3A_202, %squeeze3A_204, %dma_start3A_218] : memref<125000x8x64xf32, #tpu.memory_space<hbm>> -> memref<1x1x64xf32, #tpu.memory_space<hbm>>
      %dma_start3A_220 = tpu.memref_squeeze %dma_start3A_219 : memref<1x1x64xf32, #tpu.memory_space<hbm>> -> memref<64xf32, #tpu.memory_space<hbm>>
      tpu.enqueue_dma source(%dma_start3A_220 : memref<64xf32, #tpu.memory_space<hbm>>) target(%dma_start3A_217 : memref<64xf32, #tpu.memory_space<vmem>>) target_semaphore(%arg9 : memref<!tpu.dma_semaphore, #tpu.memory_space<semaphore_mem>>)
      %slice3A_221 = vector.extract_strided_slice %shift_right_arithmetic3A_21 {offsets = [10], sizes = [1], strides = [1]} : vector<16xi32> to vector<1xi32>
      %squeeze3A_222 = vector.extract %slice3A_221[0] : i32 from vector<1xi32>
      %slice3A_223 = vector.extract_strided_slice %and3A_23 {offsets = [10], sizes = [1], strides = [1]} : vector<16xi32> to vector<1xi32>
      %squeeze3A_224 = vector.extract %slice3A_223[0] : i32 from vector<1xi32>
      %mul3A_225 = arith.constant 16 : i32
      %mul3A_226 = arith.muli %scan3A_15, %mul3A_225 : i32
      %add3A_227 = arith.constant 10 : i32
      %add3A_228 = arith.addi %mul3A_226, %add3A_227 : i32
      %dma_start3A_229 = arith.constant 0 : i32
      %dma_start3A_230 = tpu.memref_slice %arg8[%add3A_228, %dma_start3A_229] : memref<512x64xf32, #tpu.memory_space<vmem>> -> memref<1x64xf32, #tpu.memory_space<vmem>>
      %dma_start3A_231 = tpu.memref_squeeze %dma_start3A_230 : memref<1x64xf32, #tpu.memory_space<vmem>> -> memref<64xf32, #tpu.memory_space<vmem>>
      %dma_start3A_232 = arith.constant 0 : i32
      %dma_start3A_233 = tpu.memref_slice %arg4[%squeeze3A_222, %squeeze3A_224, %dma_start3A_232] : memref<125000x8x64xf32, #tpu.memory_space<hbm>> -> memref<1x1x64xf32, #tpu.memory_space<hbm>>
      %dma_start3A_234 = tpu.memref_squeeze %dma_start3A_233 : memref<1x1x64xf32, #tpu.memory_space<hbm>> -> memref<64xf32, #tpu.memory_space<hbm>>
      %dma_start3A_235 = arith.constant 0 : i32
      %dma_start3A_236 = tpu.memref_slice %arg8[%add3A_228, %dma_start3A_235] : memref<512x64xf32, #tpu.memory_space<vmem>> -> memref<1x64xf32, #tpu.memory_space<vmem>>
      %dma_start3A_237 = tpu.memref_squeeze %dma_start3A_236 : memref<1x64xf32, #tpu.memory_space<vmem>> -> memref<64xf32, #tpu.memory_space<vmem>>
      %dma_start3A_238 = arith.constant 0 : i32
      %dma_start3A_239 = tpu.memref_slice %arg4[%squeeze3A_222, %squeeze3A_224, %dma_start3A_238] : memref<125000x8x64xf32, #tpu.memory_space<hbm>> -> memref<1x1x64xf32, #tpu.memory_space<hbm>>
      %dma_start3A_240 = tpu.memref_squeeze %dma_start3A_239 : memref<1x1x64xf32, #tpu.memory_space<hbm>> -> memref<64xf32, #tpu.memory_space<hbm>>
      tpu.enqueue_dma source(%dma_start3A_240 : memref<64xf32, #tpu.memory_space<hbm>>) target(%dma_start3A_237 : memref<64xf32, #tpu.memory_space<vmem>>) target_semaphore(%arg9 : memref<!tpu.dma_semaphore, #tpu.memory_space<semaphore_mem>>)
      %slice3A_241 = vector.extract_strided_slice %shift_right_arithmetic3A_21 {offsets = [11], sizes = [1], strides = [1]} : vector<16xi32> to vector<1xi32>
      %squeeze3A_242 = vector.extract %slice3A_241[0] : i32 from vector<1xi32>
      %slice3A_243 = vector.extract_strided_slice %and3A_23 {offsets = [11], sizes = [1], strides = [1]} : vector<16xi32> to vector<1xi32>
      %squeeze3A_244 = vector.extract %slice3A_243[0] : i32 from vector<1xi32>
      %mul3A_245 = arith.constant 16 : i32
      %mul3A_246 = arith.muli %scan3A_15, %mul3A_245 : i32
      %add3A_247 = arith.constant 11 : i32
      %add3A_248 = arith.addi %mul3A_246, %add3A_247 : i32
      %dma_start3A_249 = arith.constant 0 : i32
      %dma_start3A_250 = tpu.memref_slice %arg8[%add3A_248, %dma_start3A_249] : memref<512x64xf32, #tpu.memory_space<vmem>> -> memref<1x64xf32, #tpu.memory_space<vmem>>
      %dma_start3A_251 = tpu.memref_squeeze %dma_start3A_250 : memref<1x64xf32, #tpu.memory_space<vmem>> -> memref<64xf32, #tpu.memory_space<vmem>>
      %dma_start3A_252 = arith.constant 0 : i32
      %dma_start3A_253 = tpu.memref_slice %arg4[%squeeze3A_242, %squeeze3A_244, %dma_start3A_252] : memref<125000x8x64xf32, #tpu.memory_space<hbm>> -> memref<1x1x64xf32, #tpu.memory_space<hbm>>
      %dma_start3A_254 = tpu.memref_squeeze %dma_start3A_253 : memref<1x1x64xf32, #tpu.memory_space<hbm>> -> memref<64xf32, #tpu.memory_space<hbm>>
      %dma_start3A_255 = arith.constant 0 : i32
      %dma_start3A_256 = tpu.memref_slice %arg8[%add3A_248, %dma_start3A_255] : memref<512x64xf32, #tpu.memory_space<vmem>> -> memref<1x64xf32, #tpu.memory_space<vmem>>
      %dma_start3A_257 = tpu.memref_squeeze %dma_start3A_256 : memref<1x64xf32, #tpu.memory_space<vmem>> -> memref<64xf32, #tpu.memory_space<vmem>>
      %dma_start3A_258 = arith.constant 0 : i32
      %dma_start3A_259 = tpu.memref_slice %arg4[%squeeze3A_242, %squeeze3A_244, %dma_start3A_258] : memref<125000x8x64xf32, #tpu.memory_space<hbm>> -> memref<1x1x64xf32, #tpu.memory_space<hbm>>
      %dma_start3A_260 = tpu.memref_squeeze %dma_start3A_259 : memref<1x1x64xf32, #tpu.memory_space<hbm>> -> memref<64xf32, #tpu.memory_space<hbm>>
      tpu.enqueue_dma source(%dma_start3A_260 : memref<64xf32, #tpu.memory_space<hbm>>) target(%dma_start3A_257 : memref<64xf32, #tpu.memory_space<vmem>>) target_semaphore(%arg9 : memref<!tpu.dma_semaphore, #tpu.memory_space<semaphore_mem>>)
      %slice3A_261 = vector.extract_strided_slice %shift_right_arithmetic3A_21 {offsets = [12], sizes = [1], strides = [1]} : vector<16xi32> to vector<1xi32>
      %squeeze3A_262 = vector.extract %slice3A_261[0] : i32 from vector<1xi32>
      %slice3A_263 = vector.extract_strided_slice %and3A_23 {offsets = [12], sizes = [1], strides = [1]} : vector<16xi32> to vector<1xi32>
      %squeeze3A_264 = vector.extract %slice3A_263[0] : i32 from vector<1xi32>
      %mul3A_265 = arith.constant 16 : i32
      %mul3A_266 = arith.muli %scan3A_15, %mul3A_265 : i32
      %add3A_267 = arith.constant 12 : i32
      %add3A_268 = arith.addi %mul3A_266, %add3A_267 : i32
      %dma_start3A_269 = arith.constant 0 : i32
      %dma_start3A_270 = tpu.memref_slice %arg8[%add3A_268, %dma_start3A_269] : memref<512x64xf32, #tpu.memory_space<vmem>> -> memref<1x64xf32, #tpu.memory_space<vmem>>
      %dma_start3A_271 = tpu.memref_squeeze %dma_start3A_270 : memref<1x64xf32, #tpu.memory_space<vmem>> -> memref<64xf32, #tpu.memory_space<vmem>>
      %dma_start3A_272 = arith.constant 0 : i32
      %dma_start3A_273 = tpu.memref_slice %arg4[%squeeze3A_262, %squeeze3A_264, %dma_start3A_272] : memref<125000x8x64xf32, #tpu.memory_space<hbm>> -> memref<1x1x64xf32, #tpu.memory_space<hbm>>
      %dma_start3A_274 = tpu.memref_squeeze %dma_start3A_273 : memref<1x1x64xf32, #tpu.memory_space<hbm>> -> memref<64xf32, #tpu.memory_space<hbm>>
      %dma_start3A_275 = arith.constant 0 : i32
      %dma_start3A_276 = tpu.memref_slice %arg8[%add3A_268, %dma_start3A_275] : memref<512x64xf32, #tpu.memory_space<vmem>> -> memref<1x64xf32, #tpu.memory_space<vmem>>
      %dma_start3A_277 = tpu.memref_squeeze %dma_start3A_276 : memref<1x64xf32, #tpu.memory_space<vmem>> -> memref<64xf32, #tpu.memory_space<vmem>>
      %dma_start3A_278 = arith.constant 0 : i32
      %dma_start3A_279 = tpu.memref_slice %arg4[%squeeze3A_262, %squeeze3A_264, %dma_start3A_278] : memref<125000x8x64xf32, #tpu.memory_space<hbm>> -> memref<1x1x64xf32, #tpu.memory_space<hbm>>
      %dma_start3A_280 = tpu.memref_squeeze %dma_start3A_279 : memref<1x1x64xf32, #tpu.memory_space<hbm>> -> memref<64xf32, #tpu.memory_space<hbm>>
      tpu.enqueue_dma source(%dma_start3A_280 : memref<64xf32, #tpu.memory_space<hbm>>) target(%dma_start3A_277 : memref<64xf32, #tpu.memory_space<vmem>>) target_semaphore(%arg9 : memref<!tpu.dma_semaphore, #tpu.memory_space<semaphore_mem>>)
      %slice3A_281 = vector.extract_strided_slice %shift_right_arithmetic3A_21 {offsets = [13], sizes = [1], strides = [1]} : vector<16xi32> to vector<1xi32>
      %squeeze3A_282 = vector.extract %slice3A_281[0] : i32 from vector<1xi32>
      %slice3A_283 = vector.extract_strided_slice %and3A_23 {offsets = [13], sizes = [1], strides = [1]} : vector<16xi32> to vector<1xi32>
      %squeeze3A_284 = vector.extract %slice3A_283[0] : i32 from vector<1xi32>
      %mul3A_285 = arith.constant 16 : i32
      %mul3A_286 = arith.muli %scan3A_15, %mul3A_285 : i32
      %add3A_287 = arith.constant 13 : i32
      %add3A_288 = arith.addi %mul3A_286, %add3A_287 : i32
      %dma_start3A_289 = arith.constant 0 : i32
      %dma_start3A_290 = tpu.memref_slice %arg8[%add3A_288, %dma_start3A_289] : memref<512x64xf32, #tpu.memory_space<vmem>> -> memref<1x64xf32, #tpu.memory_space<vmem>>
      %dma_start3A_291 = tpu.memref_squeeze %dma_start3A_290 : memref<1x64xf32, #tpu.memory_space<vmem>> -> memref<64xf32, #tpu.memory_space<vmem>>
      %dma_start3A_292 = arith.constant 0 : i32
      %dma_start3A_293 = tpu.memref_slice %arg4[%squeeze3A_282, %squeeze3A_284, %dma_start3A_292] : memref<125000x8x64xf32, #tpu.memory_space<hbm>> -> memref<1x1x64xf32, #tpu.memory_space<hbm>>
      %dma_start3A_294 = tpu.memref_squeeze %dma_start3A_293 : memref<1x1x64xf32, #tpu.memory_space<hbm>> -> memref<64xf32, #tpu.memory_space<hbm>>
      %dma_start3A_295 = arith.constant 0 : i32
      %dma_start3A_296 = tpu.memref_slice %arg8[%add3A_288, %dma_start3A_295] : memref<512x64xf32, #tpu.memory_space<vmem>> -> memref<1x64xf32, #tpu.memory_space<vmem>>
      %dma_start3A_297 = tpu.memref_squeeze %dma_start3A_296 : memref<1x64xf32, #tpu.memory_space<vmem>> -> memref<64xf32, #tpu.memory_space<vmem>>
      %dma_start3A_298 = arith.constant 0 : i32
      %dma_start3A_299 = tpu.memref_slice %arg4[%squeeze3A_282, %squeeze3A_284, %dma_start3A_298] : memref<125000x8x64xf32, #tpu.memory_space<hbm>> -> memref<1x1x64xf32, #tpu.memory_space<hbm>>
      %dma_start3A_300 = tpu.memref_squeeze %dma_start3A_299 : memref<1x1x64xf32, #tpu.memory_space<hbm>> -> memref<64xf32, #tpu.memory_space<hbm>>
      tpu.enqueue_dma source(%dma_start3A_300 : memref<64xf32, #tpu.memory_space<hbm>>) target(%dma_start3A_297 : memref<64xf32, #tpu.memory_space<vmem>>) target_semaphore(%arg9 : memref<!tpu.dma_semaphore, #tpu.memory_space<semaphore_mem>>)
      %slice3A_301 = vector.extract_strided_slice %shift_right_arithmetic3A_21 {offsets = [14], sizes = [1], strides = [1]} : vector<16xi32> to vector<1xi32>
      %squeeze3A_302 = vector.extract %slice3A_301[0] : i32 from vector<1xi32>
      %slice3A_303 = vector.extract_strided_slice %and3A_23 {offsets = [14], sizes = [1], strides = [1]} : vector<16xi32> to vector<1xi32>
      %squeeze3A_304 = vector.extract %slice3A_303[0] : i32 from vector<1xi32>
      %mul3A_305 = arith.constant 16 : i32
      %mul3A_306 = arith.muli %scan3A_15, %mul3A_305 : i32
      %add3A_307 = arith.constant 14 : i32
      %add3A_308 = arith.addi %mul3A_306, %add3A_307 : i32
      %dma_start3A_309 = arith.constant 0 : i32
      %dma_start3A_310 = tpu.memref_slice %arg8[%add3A_308, %dma_start3A_309] : memref<512x64xf32, #tpu.memory_space<vmem>> -> memref<1x64xf32, #tpu.memory_space<vmem>>
      %dma_start3A_311 = tpu.memref_squeeze %dma_start3A_310 : memref<1x64xf32, #tpu.memory_space<vmem>> -> memref<64xf32, #tpu.memory_space<vmem>>
      %dma_start3A_312 = arith.constant 0 : i32
      %dma_start3A_313 = tpu.memref_slice %arg4[%squeeze3A_302, %squeeze3A_304, %dma_start3A_312] : memref<125000x8x64xf32, #tpu.memory_space<hbm>> -> memref<1x1x64xf32, #tpu.memory_space<hbm>>
      %dma_start3A_314 = tpu.memref_squeeze %dma_start3A_313 : memref<1x1x64xf32, #tpu.memory_space<hbm>> -> memref<64xf32, #tpu.memory_space<hbm>>
      %dma_start3A_315 = arith.constant 0 : i32
      %dma_start3A_316 = tpu.memref_slice %arg8[%add3A_308, %dma_start3A_315] : memref<512x64xf32, #tpu.memory_space<vmem>> -> memref<1x64xf32, #tpu.memory_space<vmem>>
      %dma_start3A_317 = tpu.memref_squeeze %dma_start3A_316 : memref<1x64xf32, #tpu.memory_space<vmem>> -> memref<64xf32, #tpu.memory_space<vmem>>
      %dma_start3A_318 = arith.constant 0 : i32
      %dma_start3A_319 = tpu.memref_slice %arg4[%squeeze3A_302, %squeeze3A_304, %dma_start3A_318] : memref<125000x8x64xf32, #tpu.memory_space<hbm>> -> memref<1x1x64xf32, #tpu.memory_space<hbm>>
      %dma_start3A_320 = tpu.memref_squeeze %dma_start3A_319 : memref<1x1x64xf32, #tpu.memory_space<hbm>> -> memref<64xf32, #tpu.memory_space<hbm>>
      tpu.enqueue_dma source(%dma_start3A_320 : memref<64xf32, #tpu.memory_space<hbm>>) target(%dma_start3A_317 : memref<64xf32, #tpu.memory_space<vmem>>) target_semaphore(%arg9 : memref<!tpu.dma_semaphore, #tpu.memory_space<semaphore_mem>>)
      %slice3A_321 = vector.extract_strided_slice %shift_right_arithmetic3A_21 {offsets = [15], sizes = [1], strides = [1]} : vector<16xi32> to vector<1xi32>
      %squeeze3A_322 = vector.extract %slice3A_321[0] : i32 from vector<1xi32>
      %slice3A_323 = vector.extract_strided_slice %and3A_23 {offsets = [15], sizes = [1], strides = [1]} : vector<16xi32> to vector<1xi32>
      %squeeze3A_324 = vector.extract %slice3A_323[0] : i32 from vector<1xi32>
      %mul3A_325 = arith.constant 16 : i32
      %mul3A_326 = arith.muli %scan3A_15, %mul3A_325 : i32
      %add3A_327 = arith.constant 15 : i32
      %add3A_328 = arith.addi %mul3A_326, %add3A_327 : i32
      %dma_start3A_329 = arith.constant 0 : i32
      %dma_start3A_330 = tpu.memref_slice %arg8[%add3A_328, %dma_start3A_329] : memref<512x64xf32, #tpu.memory_space<vmem>> -> memref<1x64xf32, #tpu.memory_space<vmem>>
      %dma_start3A_331 = tpu.memref_squeeze %dma_start3A_330 : memref<1x64xf32, #tpu.memory_space<vmem>> -> memref<64xf32, #tpu.memory_space<vmem>>
      %dma_start3A_332 = arith.constant 0 : i32
      %dma_start3A_333 = tpu.memref_slice %arg4[%squeeze3A_322, %squeeze3A_324, %dma_start3A_332] : memref<125000x8x64xf32, #tpu.memory_space<hbm>> -> memref<1x1x64xf32, #tpu.memory_space<hbm>>
      %dma_start3A_334 = tpu.memref_squeeze %dma_start3A_333 : memref<1x1x64xf32, #tpu.memory_space<hbm>> -> memref<64xf32, #tpu.memory_space<hbm>>
      %dma_start3A_335 = arith.constant 0 : i32
      %dma_start3A_336 = tpu.memref_slice %arg8[%add3A_328, %dma_start3A_335] : memref<512x64xf32, #tpu.memory_space<vmem>> -> memref<1x64xf32, #tpu.memory_space<vmem>>
      %dma_start3A_337 = tpu.memref_squeeze %dma_start3A_336 : memref<1x64xf32, #tpu.memory_space<vmem>> -> memref<64xf32, #tpu.memory_space<vmem>>
      %dma_start3A_338 = arith.constant 0 : i32
      %dma_start3A_339 = tpu.memref_slice %arg4[%squeeze3A_322, %squeeze3A_324, %dma_start3A_338] : memref<125000x8x64xf32, #tpu.memory_space<hbm>> -> memref<1x1x64xf32, #tpu.memory_space<hbm>>
      %dma_start3A_340 = tpu.memref_squeeze %dma_start3A_339 : memref<1x1x64xf32, #tpu.memory_space<hbm>> -> memref<64xf32, #tpu.memory_space<hbm>>
      tpu.enqueue_dma source(%dma_start3A_340 : memref<64xf32, #tpu.memory_space<hbm>>) target(%dma_start3A_337 : memref<64xf32, #tpu.memory_space<vmem>>) target_semaphore(%arg9 : memref<!tpu.dma_semaphore, #tpu.memory_space<semaphore_mem>>)
    }
    %scan3A_6 = arith.constant 32 : i32
    %dma_wait3A = arith.constant 0 : i32
    %dma_wait3A_7 = tpu.memref_slice %arg5[%mul3A_2, %dma_wait3A] : memref<16384x64xf32, #tpu.memory_space<hbm>> -> memref<512x64xf32, #tpu.memory_space<hbm>>
    %dma_wait3A_8 = arith.constant 0 : i32
    %dma_wait3A_9 = tpu.memref_slice %arg5[%mul3A_2, %dma_wait3A_8] : memref<16384x64xf32, #tpu.memory_space<hbm>> -> memref<512x64xf32, #tpu.memory_space<hbm>>
    tpu.wait_dma2 semaphore(%arg9 : memref<!tpu.dma_semaphore, #tpu.memory_space<semaphore_mem>>) src(%dma_wait3A_9 : memref<512x64xf32, #tpu.memory_space<hbm>>) dst(%arg8 : memref<512x64xf32, #tpu.memory_space<vmem>>)
    %scan3A_10 = arith.constant 0 : i32
    %scan3A_11 = arith.constant 32 : i32
    %scan3A_12 = arith.addi %scan3A_10, %scan3A_11 : i32
    %scan3A_13 = arith.constant 1 : i32
    scf.for %scan3A_15 = %scan3A_10 to %scan3A_12 step %scan3A_13  : i32 {
      %mul3A_16 = arith.constant 16 : i32
      %mul3A_17 = arith.muli %scan3A_15, %mul3A_16 : i32
      %get3A = arith.index_cast %mul3A_17 : i32 to index
      %get3A_18 = tpu.vector_load %arg7[%get3A] {strides = array<i32>} : memref<512xf32, #tpu.memory_space<vmem>>, vector<16xf32>,
      %get3A_19 = vector.shape_cast %get3A_18 : vector<16xf32> to vector<16xf32>
      %slice3A = vector.extract_strided_slice %get3A_19 {offsets = [0], sizes = [1], strides = [1]} : vector<16xf32> to vector<1xf32>
      %squeeze3A = vector.extract %slice3A[0] : f32 from vector<1xf32>
      %broadcast_in_dim3A = vector.broadcast %squeeze3A : f32 to vector<16xf32>
      %mul3A_20 = arith.constant 16 : i32
      %mul3A_21 = arith.muli %scan3A_15, %mul3A_20 : i32
      %add3A_22 = arith.constant 0 : i32
      %add3A_23 = arith.addi %mul3A_21, %add3A_22 : i32
      %get3A_24 = arith.index_cast %add3A_23 : i32 to index
      %get3A_25 = arith.constant 0 : index
      %get3A_26 = tpu.vector_load %arg8[%get3A_24, %get3A_25] {strides = array<i32>} : memref<512x64xf32, #tpu.memory_space<vmem>>, vector<1x16xf32>,
      %get3A_27 = vector.shape_cast %get3A_26 : vector<1x16xf32> to vector<16xf32>
      %mul3A_28 = arith.mulf %get3A_27, %broadcast_in_dim3A : vector<16xf32>
      %swap3A = arith.index_cast %add3A_23 : i32 to index
      %swap3A_29 = arith.constant 0 : index
      %swap3A_30 = tpu.vector_load %arg8[%swap3A, %swap3A_29] {strides = array<i32>} : memref<512x64xf32, #tpu.memory_space<vmem>>, vector<1x16xf32>,
      %swap3A_31 = vector.shape_cast %swap3A_30 : vector<1x16xf32> to vector<16xf32>
      %swap3A_32 = vector.shape_cast %mul3A_28 : vector<16xf32> to vector<1x16xf32>
      tpu.vector_store %arg8[%swap3A, %swap3A_29], %swap3A_32 {strides = array<i32>} : memref<512x64xf32, #tpu.memory_space<vmem>>, vector<1x16xf32>,
      %get3A_33 = arith.index_cast %add3A_23 : i32 to index
      %get3A_34 = arith.constant 16 : index
      %get3A_35 = tpu.vector_load %arg8[%get3A_33, %get3A_34] {strides = array<i32>} : memref<512x64xf32, #tpu.memory_space<vmem>>, vector<1x16xf32>,
      %get3A_36 = vector.shape_cast %get3A_35 : vector<1x16xf32> to vector<16xf32>
      %mul3A_37 = arith.mulf %get3A_36, %broadcast_in_dim3A : vector<16xf32>
      %swap3A_38 = arith.index_cast %add3A_23 : i32 to index
      %swap3A_39 = arith.constant 16 : index
      %swap3A_40 = tpu.vector_load %arg8[%swap3A_38, %swap3A_39] {strides = array<i32>} : memref<512x64xf32, #tpu.memory_space<vmem>>, vector<1x16xf32>,
      %swap3A_41 = vector.shape_cast %swap3A_40 : vector<1x16xf32> to vector<16xf32>
      %swap3A_42 = vector.shape_cast %mul3A_37 : vector<16xf32> to vector<1x16xf32>
      tpu.vector_store %arg8[%swap3A_38, %swap3A_39], %swap3A_42 {strides = array<i32>} : memref<512x64xf32, #tpu.memory_space<vmem>>, vector<1x16xf32>,
      %get3A_43 = arith.index_cast %add3A_23 : i32 to index
      %get3A_44 = arith.constant 32 : index
      %get3A_45 = tpu.vector_load %arg8[%get3A_43, %get3A_44] {strides = array<i32>} : memref<512x64xf32, #tpu.memory_space<vmem>>, vector<1x16xf32>,
      %get3A_46 = vector.shape_cast %get3A_45 : vector<1x16xf32> to vector<16xf32>
      %mul3A_47 = arith.mulf %get3A_46, %broadcast_in_dim3A : vector<16xf32>
      %swap3A_48 = arith.index_cast %add3A_23 : i32 to index
      %swap3A_49 = arith.constant 32 : index
      %swap3A_50 = tpu.vector_load %arg8[%swap3A_48, %swap3A_49] {strides = array<i32>} : memref<512x64xf32, #tpu.memory_space<vmem>>, vector<1x16xf32>,
      %swap3A_51 = vector.shape_cast %swap3A_50 : vector<1x16xf32> to vector<16xf32>
      %swap3A_52 = vector.shape_cast %mul3A_47 : vector<16xf32> to vector<1x16xf32>
      tpu.vector_store %arg8[%swap3A_48, %swap3A_49], %swap3A_52 {strides = array<i32>} : memref<512x64xf32, #tpu.memory_space<vmem>>, vector<1x16xf32>,
      %get3A_53 = arith.index_cast %add3A_23 : i32 to index
      %get3A_54 = arith.constant 48 : index
      %get3A_55 = tpu.vector_load %arg8[%get3A_53, %get3A_54] {strides = array<i32>} : memref<512x64xf32, #tpu.memory_space<vmem>>, vector<1x16xf32>,
      %get3A_56 = vector.shape_cast %get3A_55 : vector<1x16xf32> to vector<16xf32>
      %mul3A_57 = arith.mulf %get3A_56, %broadcast_in_dim3A : vector<16xf32>
      %swap3A_58 = arith.index_cast %add3A_23 : i32 to index
      %swap3A_59 = arith.constant 48 : index
      %swap3A_60 = tpu.vector_load %arg8[%swap3A_58, %swap3A_59] {strides = array<i32>} : memref<512x64xf32, #tpu.memory_space<vmem>>, vector<1x16xf32>,
      %swap3A_61 = vector.shape_cast %swap3A_60 : vector<1x16xf32> to vector<16xf32>
      %swap3A_62 = vector.shape_cast %mul3A_57 : vector<16xf32> to vector<1x16xf32>
      tpu.vector_store %arg8[%swap3A_58, %swap3A_59], %swap3A_62 {strides = array<i32>} : memref<512x64xf32, #tpu.memory_space<vmem>>, vector<1x16xf32>,
      %slice3A_63 = vector.extract_strided_slice %get3A_19 {offsets = [1], sizes = [1], strides = [1]} : vector<16xf32> to vector<1xf32>
      %squeeze3A_64 = vector.extract %slice3A_63[0] : f32 from vector<1xf32>
      %broadcast_in_dim3A_65 = vector.broadcast %squeeze3A_64 : f32 to vector<16xf32>
      %mul3A_66 = arith.constant 16 : i32
      %mul3A_67 = arith.muli %scan3A_15, %mul3A_66 : i32
      %add3A_68 = arith.constant 1 : i32
      %add3A_69 = arith.addi %mul3A_67, %add3A_68 : i32
      %get3A_70 = arith.index_cast %add3A_69 : i32 to index
      %get3A_71 = arith.constant 0 : index
      %get3A_72 = tpu.vector_load %arg8[%get3A_70, %get3A_71] {strides = array<i32>} : memref<512x64xf32, #tpu.memory_space<vmem>>, vector<1x16xf32>,
      %get3A_73 = vector.shape_cast %get3A_72 : vector<1x16xf32> to vector<16xf32>
      %mul3A_74 = arith.mulf %get3A_73, %broadcast_in_dim3A_65 : vector<16xf32>
      %swap3A_75 = arith.index_cast %add3A_69 : i32 to index
      %swap3A_76 = arith.constant 0 : index
      %swap3A_77 = tpu.vector_load %arg8[%swap3A_75, %swap3A_76] {strides = array<i32>} : memref<512x64xf32, #tpu.memory_space<vmem>>, vector<1x16xf32>,
      %swap3A_78 = vector.shape_cast %swap3A_77 : vector<1x16xf32> to vector<16xf32>
      %swap3A_79 = vector.shape_cast %mul3A_74 : vector<16xf32> to vector<1x16xf32>
      tpu.vector_store %arg8[%swap3A_75, %swap3A_76], %swap3A_79 {strides = array<i32>} : memref<512x64xf32, #tpu.memory_space<vmem>>, vector<1x16xf32>,
      %get3A_80 = arith.index_cast %add3A_69 : i32 to index
      %get3A_81 = arith.constant 16 : index
      %get3A_82 = tpu.vector_load %arg8[%get3A_80, %get3A_81] {strides = array<i32>} : memref<512x64xf32, #tpu.memory_space<vmem>>, vector<1x16xf32>,
      %get3A_83 = vector.shape_cast %get3A_82 : vector<1x16xf32> to vector<16xf32>
      %mul3A_84 = arith.mulf %get3A_83, %broadcast_in_dim3A_65 : vector<16xf32>
      %swap3A_85 = arith.index_cast %add3A_69 : i32 to index
      %swap3A_86 = arith.constant 16 : index
      %swap3A_87 = tpu.vector_load %arg8[%swap3A_85, %swap3A_86] {strides = array<i32>} : memref<512x64xf32, #tpu.memory_space<vmem>>, vector<1x16xf32>,
      %swap3A_88 = vector.shape_cast %swap3A_87 : vector<1x16xf32> to vector<16xf32>
      %swap3A_89 = vector.shape_cast %mul3A_84 : vector<16xf32> to vector<1x16xf32>
      tpu.vector_store %arg8[%swap3A_85, %swap3A_86], %swap3A_89 {strides = array<i32>} : memref<512x64xf32, #tpu.memory_space<vmem>>, vector<1x16xf32>,
      %get3A_90 = arith.index_cast %add3A_69 : i32 to index
      %get3A_91 = arith.constant 32 : index
      %get3A_92 = tpu.vector_load %arg8[%get3A_90, %get3A_91] {strides = array<i32>} : memref<512x64xf32, #tpu.memory_space<vmem>>, vector<1x16xf32>,
      %get3A_93 = vector.shape_cast %get3A_92 : vector<1x16xf32> to vector<16xf32>
      %mul3A_94 = arith.mulf %get3A_93, %broadcast_in_dim3A_65 : vector<16xf32>
      %swap3A_95 = arith.index_cast %add3A_69 : i32 to index
      %swap3A_96 = arith.constant 32 : index
      %swap3A_97 = tpu.vector_load %arg8[%swap3A_95, %swap3A_96] {strides = array<i32>} : memref<512x64xf32, #tpu.memory_space<vmem>>, vector<1x16xf32>,
      %swap3A_98 = vector.shape_cast %swap3A_97 : vector<1x16xf32> to vector<16xf32>
      %swap3A_99 = vector.shape_cast %mul3A_94 : vector<16xf32> to vector<1x16xf32>
      tpu.vector_store %arg8[%swap3A_95, %swap3A_96], %swap3A_99 {strides = array<i32>} : memref<512x64xf32, #tpu.memory_space<vmem>>, vector<1x16xf32>,
      %get3A_100 = arith.index_cast %add3A_69 : i32 to index
      %get3A_101 = arith.constant 48 : index
      %get3A_102 = tpu.vector_load %arg8[%get3A_100, %get3A_101] {strides = array<i32>} : memref<512x64xf32, #tpu.memory_space<vmem>>, vector<1x16xf32>,
      %get3A_103 = vector.shape_cast %get3A_102 : vector<1x16xf32> to vector<16xf32>
      %mul3A_104 = arith.mulf %get3A_103, %broadcast_in_dim3A_65 : vector<16xf32>
      %swap3A_105 = arith.index_cast %add3A_69 : i32 to index
      %swap3A_106 = arith.constant 48 : index
      %swap3A_107 = tpu.vector_load %arg8[%swap3A_105, %swap3A_106] {strides = array<i32>} : memref<512x64xf32, #tpu.memory_space<vmem>>, vector<1x16xf32>,
      %swap3A_108 = vector.shape_cast %swap3A_107 : vector<1x16xf32> to vector<16xf32>
      %swap3A_109 = vector.shape_cast %mul3A_104 : vector<16xf32> to vector<1x16xf32>
      tpu.vector_store %arg8[%swap3A_105, %swap3A_106], %swap3A_109 {strides = array<i32>} : memref<512x64xf32, #tpu.memory_space<vmem>>, vector<1x16xf32>,
      %slice3A_110 = vector.extract_strided_slice %get3A_19 {offsets = [2], sizes = [1], strides = [1]} : vector<16xf32> to vector<1xf32>
      %squeeze3A_111 = vector.extract %slice3A_110[0] : f32 from vector<1xf32>
      %broadcast_in_dim3A_112 = vector.broadcast %squeeze3A_111 : f32 to vector<16xf32>
      %mul3A_113 = arith.constant 16 : i32
      %mul3A_114 = arith.muli %scan3A_15, %mul3A_113 : i32
      %add3A_115 = arith.constant 2 : i32
      %add3A_116 = arith.addi %mul3A_114, %add3A_115 : i32
      %get3A_117 = arith.index_cast %add3A_116 : i32 to index
      %get3A_118 = arith.constant 0 : index
      %get3A_119 = tpu.vector_load %arg8[%get3A_117, %get3A_118] {strides = array<i32>} : memref<512x64xf32, #tpu.memory_space<vmem>>, vector<1x16xf32>,
      %get3A_120 = vector.shape_cast %get3A_119 : vector<1x16xf32> to vector<16xf32>
      %mul3A_121 = arith.mulf %get3A_120, %broadcast_in_dim3A_112 : vector<16xf32>
      %swap3A_122 = arith.index_cast %add3A_116 : i32 to index
      %swap3A_123 = arith.constant 0 : index
      %swap3A_124 = tpu.vector_load %arg8[%swap3A_122, %swap3A_123] {strides = array<i32>} : memref<512x64xf32, #tpu.memory_space<vmem>>, vector<1x16xf32>,
      %swap3A_125 = vector.shape_cast %swap3A_124 : vector<1x16xf32> to vector<16xf32>
      %swap3A_126 = vector.shape_cast %mul3A_121 : vector<16xf32> to vector<1x16xf32>
      tpu.vector_store %arg8[%swap3A_122, %swap3A_123], %swap3A_126 {strides = array<i32>} : memref<512x64xf32, #tpu.memory_space<vmem>>, vector<1x16xf32>,
      %get3A_127 = arith.index_cast %add3A_116 : i32 to index
      %get3A_128 = arith.constant 16 : index
      %get3A_129 = tpu.vector_load %arg8[%get3A_127, %get3A_128] {strides = array<i32>} : memref<512x64xf32, #tpu.memory_space<vmem>>, vector<1x16xf32>,
      %get3A_130 = vector.shape_cast %get3A_129 : vector<1x16xf32> to vector<16xf32>
      %mul3A_131 = arith.mulf %get3A_130, %broadcast_in_dim3A_112 : vector<16xf32>
      %swap3A_132 = arith.index_cast %add3A_116 : i32 to index
      %swap3A_133 = arith.constant 16 : index
      %swap3A_134 = tpu.vector_load %arg8[%swap3A_132, %swap3A_133] {strides = array<i32>} : memref<512x64xf32, #tpu.memory_space<vmem>>, vector<1x16xf32>,
      %swap3A_135 = vector.shape_cast %swap3A_134 : vector<1x16xf32> to vector<16xf32>
      %swap3A_136 = vector.shape_cast %mul3A_131 : vector<16xf32> to vector<1x16xf32>
      tpu.vector_store %arg8[%swap3A_132, %swap3A_133], %swap3A_136 {strides = array<i32>} : memref<512x64xf32, #tpu.memory_space<vmem>>, vector<1x16xf32>,
      %get3A_137 = arith.index_cast %add3A_116 : i32 to index
      %get3A_138 = arith.constant 32 : index
      %get3A_139 = tpu.vector_load %arg8[%get3A_137, %get3A_138] {strides = array<i32>} : memref<512x64xf32, #tpu.memory_space<vmem>>, vector<1x16xf32>,
      %get3A_140 = vector.shape_cast %get3A_139 : vector<1x16xf32> to vector<16xf32>
      %mul3A_141 = arith.mulf %get3A_140, %broadcast_in_dim3A_112 : vector<16xf32>
      %swap3A_142 = arith.index_cast %add3A_116 : i32 to index
      %swap3A_143 = arith.constant 32 : index
      %swap3A_144 = tpu.vector_load %arg8[%swap3A_142, %swap3A_143] {strides = array<i32>} : memref<512x64xf32, #tpu.memory_space<vmem>>, vector<1x16xf32>,
      %swap3A_145 = vector.shape_cast %swap3A_144 : vector<1x16xf32> to vector<16xf32>
      %swap3A_146 = vector.shape_cast %mul3A_141 : vector<16xf32> to vector<1x16xf32>
      tpu.vector_store %arg8[%swap3A_142, %swap3A_143], %swap3A_146 {strides = array<i32>} : memref<512x64xf32, #tpu.memory_space<vmem>>, vector<1x16xf32>,
      %get3A_147 = arith.index_cast %add3A_116 : i32 to index
      %get3A_148 = arith.constant 48 : index
      %get3A_149 = tpu.vector_load %arg8[%get3A_147, %get3A_148] {strides = array<i32>} : memref<512x64xf32, #tpu.memory_space<vmem>>, vector<1x16xf32>,
      %get3A_150 = vector.shape_cast %get3A_149 : vector<1x16xf32> to vector<16xf32>
      %mul3A_151 = arith.mulf %get3A_150, %broadcast_in_dim3A_112 : vector<16xf32>
      %swap3A_152 = arith.index_cast %add3A_116 : i32 to index
      %swap3A_153 = arith.constant 48 : index
      %swap3A_154 = tpu.vector_load %arg8[%swap3A_152, %swap3A_153] {strides = array<i32>} : memref<512x64xf32, #tpu.memory_space<vmem>>, vector<1x16xf32>,
      %swap3A_155 = vector.shape_cast %swap3A_154 : vector<1x16xf32> to vector<16xf32>
      %swap3A_156 = vector.shape_cast %mul3A_151 : vector<16xf32> to vector<1x16xf32>
      tpu.vector_store %arg8[%swap3A_152, %swap3A_153], %swap3A_156 {strides = array<i32>} : memref<512x64xf32, #tpu.memory_space<vmem>>, vector<1x16xf32>,
      %slice3A_157 = vector.extract_strided_slice %get3A_19 {offsets = [3], sizes = [1], strides = [1]} : vector<16xf32> to vector<1xf32>
      %squeeze3A_158 = vector.extract %slice3A_157[0] : f32 from vector<1xf32>
      %broadcast_in_dim3A_159 = vector.broadcast %squeeze3A_158 : f32 to vector<16xf32>
      %mul3A_160 = arith.constant 16 : i32
      %mul3A_161 = arith.muli %scan3A_15, %mul3A_160 : i32
      %add3A_162 = arith.constant 3 : i32
      %add3A_163 = arith.addi %mul3A_161, %add3A_162 : i32
      %get3A_164 = arith.index_cast %add3A_163 : i32 to index
      %get3A_165 = arith.constant 0 : index
      %get3A_166 = tpu.vector_load %arg8[%get3A_164, %get3A_165] {strides = array<i32>} : memref<512x64xf32, #tpu.memory_space<vmem>>, vector<1x16xf32>,
      %get3A_167 = vector.shape_cast %get3A_166 : vector<1x16xf32> to vector<16xf32>
      %mul3A_168 = arith.mulf %get3A_167, %broadcast_in_dim3A_159 : vector<16xf32>
      %swap3A_169 = arith.index_cast %add3A_163 : i32 to index
      %swap3A_170 = arith.constant 0 : index
      %swap3A_171 = tpu.vector_load %arg8[%swap3A_169, %swap3A_170] {strides = array<i32>} : memref<512x64xf32, #tpu.memory_space<vmem>>, vector<1x16xf32>,
      %swap3A_172 = vector.shape_cast %swap3A_171 : vector<1x16xf32> to vector<16xf32>
      %swap3A_173 = vector.shape_cast %mul3A_168 : vector<16xf32> to vector<1x16xf32>
      tpu.vector_store %arg8[%swap3A_169, %swap3A_170], %swap3A_173 {strides = array<i32>} : memref<512x64xf32, #tpu.memory_space<vmem>>, vector<1x16xf32>,
      %get3A_174 = arith.index_cast %add3A_163 : i32 to index
      %get3A_175 = arith.constant 16 : index
      %get3A_176 = tpu.vector_load %arg8[%get3A_174, %get3A_175] {strides = array<i32>} : memref<512x64xf32, #tpu.memory_space<vmem>>, vector<1x16xf32>,
      %get3A_177 = vector.shape_cast %get3A_176 : vector<1x16xf32> to vector<16xf32>
      %mul3A_178 = arith.mulf %get3A_177, %broadcast_in_dim3A_159 : vector<16xf32>
      %swap3A_179 = arith.index_cast %add3A_163 : i32 to index
      %swap3A_180 = arith.constant 16 : index
      %swap3A_181 = tpu.vector_load %arg8[%swap3A_179, %swap3A_180] {strides = array<i32>} : memref<512x64xf32, #tpu.memory_space<vmem>>, vector<1x16xf32>,
      %swap3A_182 = vector.shape_cast %swap3A_181 : vector<1x16xf32> to vector<16xf32>
      %swap3A_183 = vector.shape_cast %mul3A_178 : vector<16xf32> to vector<1x16xf32>
      tpu.vector_store %arg8[%swap3A_179, %swap3A_180], %swap3A_183 {strides = array<i32>} : memref<512x64xf32, #tpu.memory_space<vmem>>, vector<1x16xf32>,
      %get3A_184 = arith.index_cast %add3A_163 : i32 to index
      %get3A_185 = arith.constant 32 : index
      %get3A_186 = tpu.vector_load %arg8[%get3A_184, %get3A_185] {strides = array<i32>} : memref<512x64xf32, #tpu.memory_space<vmem>>, vector<1x16xf32>,
      %get3A_187 = vector.shape_cast %get3A_186 : vector<1x16xf32> to vector<16xf32>
      %mul3A_188 = arith.mulf %get3A_187, %broadcast_in_dim3A_159 : vector<16xf32>
      %swap3A_189 = arith.index_cast %add3A_163 : i32 to index
      %swap3A_190 = arith.constant 32 : index
      %swap3A_191 = tpu.vector_load %arg8[%swap3A_189, %swap3A_190] {strides = array<i32>} : memref<512x64xf32, #tpu.memory_space<vmem>>, vector<1x16xf32>,
      %swap3A_192 = vector.shape_cast %swap3A_191 : vector<1x16xf32> to vector<16xf32>
      %swap3A_193 = vector.shape_cast %mul3A_188 : vector<16xf32> to vector<1x16xf32>
      tpu.vector_store %arg8[%swap3A_189, %swap3A_190], %swap3A_193 {strides = array<i32>} : memref<512x64xf32, #tpu.memory_space<vmem>>, vector<1x16xf32>,
      %get3A_194 = arith.index_cast %add3A_163 : i32 to index
      %get3A_195 = arith.constant 48 : index
      %get3A_196 = tpu.vector_load %arg8[%get3A_194, %get3A_195] {strides = array<i32>} : memref<512x64xf32, #tpu.memory_space<vmem>>, vector<1x16xf32>,
      %get3A_197 = vector.shape_cast %get3A_196 : vector<1x16xf32> to vector<16xf32>
      %mul3A_198 = arith.mulf %get3A_197, %broadcast_in_dim3A_159 : vector<16xf32>
      %swap3A_199 = arith.index_cast %add3A_163 : i32 to index
      %swap3A_200 = arith.constant 48 : index
      %swap3A_201 = tpu.vector_load %arg8[%swap3A_199, %swap3A_200] {strides = array<i32>} : memref<512x64xf32, #tpu.memory_space<vmem>>, vector<1x16xf32>,
      %swap3A_202 = vector.shape_cast %swap3A_201 : vector<1x16xf32> to vector<16xf32>
      %swap3A_203 = vector.shape_cast %mul3A_198 : vector<16xf32> to vector<1x16xf32>
      tpu.vector_store %arg8[%swap3A_199, %swap3A_200], %swap3A_203 {strides = array<i32>} : memref<512x64xf32, #tpu.memory_space<vmem>>, vector<1x16xf32>,
      %slice3A_204 = vector.extract_strided_slice %get3A_19 {offsets = [4], sizes = [1], strides = [1]} : vector<16xf32> to vector<1xf32>
      %squeeze3A_205 = vector.extract %slice3A_204[0] : f32 from vector<1xf32>
      %broadcast_in_dim3A_206 = vector.broadcast %squeeze3A_205 : f32 to vector<16xf32>
      %mul3A_207 = arith.constant 16 : i32
      %mul3A_208 = arith.muli %scan3A_15, %mul3A_207 : i32
      %add3A_209 = arith.constant 4 : i32
      %add3A_210 = arith.addi %mul3A_208, %add3A_209 : i32
      %get3A_211 = arith.index_cast %add3A_210 : i32 to index
      %get3A_212 = arith.constant 0 : index
      %get3A_213 = tpu.vector_load %arg8[%get3A_211, %get3A_212] {strides = array<i32>} : memref<512x64xf32, #tpu.memory_space<vmem>>, vector<1x16xf32>,
      %get3A_214 = vector.shape_cast %get3A_213 : vector<1x16xf32> to vector<16xf32>
      %mul3A_215 = arith.mulf %get3A_214, %broadcast_in_dim3A_206 : vector<16xf32>
      %swap3A_216 = arith.index_cast %add3A_210 : i32 to index
      %swap3A_217 = arith.constant 0 : index
      %swap3A_218 = tpu.vector_load %arg8[%swap3A_216, %swap3A_217] {strides = array<i32>} : memref<512x64xf32, #tpu.memory_space<vmem>>, vector<1x16xf32>,
      %swap3A_219 = vector.shape_cast %swap3A_218 : vector<1x16xf32> to vector<16xf32>
      %swap3A_220 = vector.shape_cast %mul3A_215 : vector<16xf32> to vector<1x16xf32>
      tpu.vector_store %arg8[%swap3A_216, %swap3A_217], %swap3A_220 {strides = array<i32>} : memref<512x64xf32, #tpu.memory_space<vmem>>, vector<1x16xf32>,
      %get3A_221 = arith.index_cast %add3A_210 : i32 to index
      %get3A_222 = arith.constant 16 : index
      %get3A_223 = tpu.vector_load %arg8[%get3A_221, %get3A_222] {strides = array<i32>} : memref<512x64xf32, #tpu.memory_space<vmem>>, vector<1x16xf32>,
      %get3A_224 = vector.shape_cast %get3A_223 : vector<1x16xf32> to vector<16xf32>
      %mul3A_225 = arith.mulf %get3A_224, %broadcast_in_dim3A_206 : vector<16xf32>
      %swap3A_226 = arith.index_cast %add3A_210 : i32 to index
      %swap3A_227 = arith.constant 16 : index
      %swap3A_228 = tpu.vector_load %arg8[%swap3A_226, %swap3A_227] {strides = array<i32>} : memref<512x64xf32, #tpu.memory_space<vmem>>, vector<1x16xf32>,
      %swap3A_229 = vector.shape_cast %swap3A_228 : vector<1x16xf32> to vector<16xf32>
      %swap3A_230 = vector.shape_cast %mul3A_225 : vector<16xf32> to vector<1x16xf32>
      tpu.vector_store %arg8[%swap3A_226, %swap3A_227], %swap3A_230 {strides = array<i32>} : memref<512x64xf32, #tpu.memory_space<vmem>>, vector<1x16xf32>,
      %get3A_231 = arith.index_cast %add3A_210 : i32 to index
      %get3A_232 = arith.constant 32 : index
      %get3A_233 = tpu.vector_load %arg8[%get3A_231, %get3A_232] {strides = array<i32>} : memref<512x64xf32, #tpu.memory_space<vmem>>, vector<1x16xf32>,
      %get3A_234 = vector.shape_cast %get3A_233 : vector<1x16xf32> to vector<16xf32>
      %mul3A_235 = arith.mulf %get3A_234, %broadcast_in_dim3A_206 : vector<16xf32>
      %swap3A_236 = arith.index_cast %add3A_210 : i32 to index
      %swap3A_237 = arith.constant 32 : index
      %swap3A_238 = tpu.vector_load %arg8[%swap3A_236, %swap3A_237] {strides = array<i32>} : memref<512x64xf32, #tpu.memory_space<vmem>>, vector<1x16xf32>,
      %swap3A_239 = vector.shape_cast %swap3A_238 : vector<1x16xf32> to vector<16xf32>
      %swap3A_240 = vector.shape_cast %mul3A_235 : vector<16xf32> to vector<1x16xf32>
      tpu.vector_store %arg8[%swap3A_236, %swap3A_237], %swap3A_240 {strides = array<i32>} : memref<512x64xf32, #tpu.memory_space<vmem>>, vector<1x16xf32>,
      %get3A_241 = arith.index_cast %add3A_210 : i32 to index
      %get3A_242 = arith.constant 48 : index
      %get3A_243 = tpu.vector_load %arg8[%get3A_241, %get3A_242] {strides = array<i32>} : memref<512x64xf32, #tpu.memory_space<vmem>>, vector<1x16xf32>,
      %get3A_244 = vector.shape_cast %get3A_243 : vector<1x16xf32> to vector<16xf32>
      %mul3A_245 = arith.mulf %get3A_244, %broadcast_in_dim3A_206 : vector<16xf32>
      %swap3A_246 = arith.index_cast %add3A_210 : i32 to index
      %swap3A_247 = arith.constant 48 : index
      %swap3A_248 = tpu.vector_load %arg8[%swap3A_246, %swap3A_247] {strides = array<i32>} : memref<512x64xf32, #tpu.memory_space<vmem>>, vector<1x16xf32>,
      %swap3A_249 = vector.shape_cast %swap3A_248 : vector<1x16xf32> to vector<16xf32>
      %swap3A_250 = vector.shape_cast %mul3A_245 : vector<16xf32> to vector<1x16xf32>
      tpu.vector_store %arg8[%swap3A_246, %swap3A_247], %swap3A_250 {strides = array<i32>} : memref<512x64xf32, #tpu.memory_space<vmem>>, vector<1x16xf32>,
      %slice3A_251 = vector.extract_strided_slice %get3A_19 {offsets = [5], sizes = [1], strides = [1]} : vector<16xf32> to vector<1xf32>
      %squeeze3A_252 = vector.extract %slice3A_251[0] : f32 from vector<1xf32>
      %broadcast_in_dim3A_253 = vector.broadcast %squeeze3A_252 : f32 to vector<16xf32>
      %mul3A_254 = arith.constant 16 : i32
      %mul3A_255 = arith.muli %scan3A_15, %mul3A_254 : i32
      %add3A_256 = arith.constant 5 : i32
      %add3A_257 = arith.addi %mul3A_255, %add3A_256 : i32
      %get3A_258 = arith.index_cast %add3A_257 : i32 to index
      %get3A_259 = arith.constant 0 : index
      %get3A_260 = tpu.vector_load %arg8[%get3A_258, %get3A_259] {strides = array<i32>} : memref<512x64xf32, #tpu.memory_space<vmem>>, vector<1x16xf32>,
      %get3A_261 = vector.shape_cast %get3A_260 : vector<1x16xf32> to vector<16xf32>
      %mul3A_262 = arith.mulf %get3A_261, %broadcast_in_dim3A_253 : vector<16xf32>
      %swap3A_263 = arith.index_cast %add3A_257 : i32 to index
      %swap3A_264 = arith.constant 0 : index
      %swap3A_265 = tpu.vector_load %arg8[%swap3A_263, %swap3A_264] {strides = array<i32>} : memref<512x64xf32, #tpu.memory_space<vmem>>, vector<1x16xf32>,
      %swap3A_266 = vector.shape_cast %swap3A_265 : vector<1x16xf32> to vector<16xf32>
      %swap3A_267 = vector.shape_cast %mul3A_262 : vector<16xf32> to vector<1x16xf32>
      tpu.vector_store %arg8[%swap3A_263, %swap3A_264], %swap3A_267 {strides = array<i32>} : memref<512x64xf32, #tpu.memory_space<vmem>>, vector<1x16xf32>,
      %get3A_268 = arith.index_cast %add3A_257 : i32 to index
      %get3A_269 = arith.constant 16 : index
      %get3A_270 = tpu.vector_load %arg8[%get3A_268, %get3A_269] {strides = array<i32>} : memref<512x64xf32, #tpu.memory_space<vmem>>, vector<1x16xf32>,
      %get3A_271 = vector.shape_cast %get3A_270 : vector<1x16xf32> to vector<16xf32>
      %mul3A_272 = arith.mulf %get3A_271, %broadcast_in_dim3A_253 : vector<16xf32>
      %swap3A_273 = arith.index_cast %add3A_257 : i32 to index
      %swap3A_274 = arith.constant 16 : index
      %swap3A_275 = tpu.vector_load %arg8[%swap3A_273, %swap3A_274] {strides = array<i32>} : memref<512x64xf32, #tpu.memory_space<vmem>>, vector<1x16xf32>,
      %swap3A_276 = vector.shape_cast %swap3A_275 : vector<1x16xf32> to vector<16xf32>
      %swap3A_277 = vector.shape_cast %mul3A_272 : vector<16xf32> to vector<1x16xf32>
      tpu.vector_store %arg8[%swap3A_273, %swap3A_274], %swap3A_277 {strides = array<i32>} : memref<512x64xf32, #tpu.memory_space<vmem>>, vector<1x16xf32>,
      %get3A_278 = arith.index_cast %add3A_257 : i32 to index
      %get3A_279 = arith.constant 32 : index
      %get3A_280 = tpu.vector_load %arg8[%get3A_278, %get3A_279] {strides = array<i32>} : memref<512x64xf32, #tpu.memory_space<vmem>>, vector<1x16xf32>,
      %get3A_281 = vector.shape_cast %get3A_280 : vector<1x16xf32> to vector<16xf32>
      %mul3A_282 = arith.mulf %get3A_281, %broadcast_in_dim3A_253 : vector<16xf32>
      %swap3A_283 = arith.index_cast %add3A_257 : i32 to index
      %swap3A_284 = arith.constant 32 : index
      %swap3A_285 = tpu.vector_load %arg8[%swap3A_283, %swap3A_284] {strides = array<i32>} : memref<512x64xf32, #tpu.memory_space<vmem>>, vector<1x16xf32>,
      %swap3A_286 = vector.shape_cast %swap3A_285 : vector<1x16xf32> to vector<16xf32>
      %swap3A_287 = vector.shape_cast %mul3A_282 : vector<16xf32> to vector<1x16xf32>
      tpu.vector_store %arg8[%swap3A_283, %swap3A_284], %swap3A_287 {strides = array<i32>} : memref<512x64xf32, #tpu.memory_space<vmem>>, vector<1x16xf32>,
      %get3A_288 = arith.index_cast %add3A_257 : i32 to index
      %get3A_289 = arith.constant 48 : index
      %get3A_290 = tpu.vector_load %arg8[%get3A_288, %get3A_289] {strides = array<i32>} : memref<512x64xf32, #tpu.memory_space<vmem>>, vector<1x16xf32>,
      %get3A_291 = vector.shape_cast %get3A_290 : vector<1x16xf32> to vector<16xf32>
      %mul3A_292 = arith.mulf %get3A_291, %broadcast_in_dim3A_253 : vector<16xf32>
      %swap3A_293 = arith.index_cast %add3A_257 : i32 to index
      %swap3A_294 = arith.constant 48 : index
      %swap3A_295 = tpu.vector_load %arg8[%swap3A_293, %swap3A_294] {strides = array<i32>} : memref<512x64xf32, #tpu.memory_space<vmem>>, vector<1x16xf32>,
      %swap3A_296 = vector.shape_cast %swap3A_295 : vector<1x16xf32> to vector<16xf32>
      %swap3A_297 = vector.shape_cast %mul3A_292 : vector<16xf32> to vector<1x16xf32>
      tpu.vector_store %arg8[%swap3A_293, %swap3A_294], %swap3A_297 {strides = array<i32>} : memref<512x64xf32, #tpu.memory_space<vmem>>, vector<1x16xf32>,
      %slice3A_298 = vector.extract_strided_slice %get3A_19 {offsets = [6], sizes = [1], strides = [1]} : vector<16xf32> to vector<1xf32>
      %squeeze3A_299 = vector.extract %slice3A_298[0] : f32 from vector<1xf32>
      %broadcast_in_dim3A_300 = vector.broadcast %squeeze3A_299 : f32 to vector<16xf32>
      %mul3A_301 = arith.constant 16 : i32
      %mul3A_302 = arith.muli %scan3A_15, %mul3A_301 : i32
      %add3A_303 = arith.constant 6 : i32
      %add3A_304 = arith.addi %mul3A_302, %add3A_303 : i32
      %get3A_305 = arith.index_cast %add3A_304 : i32 to index
      %get3A_306 = arith.constant 0 : index
      %get3A_307 = tpu.vector_load %arg8[%get3A_305, %get3A_306] {strides = array<i32>} : memref<512x64xf32, #tpu.memory_space<vmem>>, vector<1x16xf32>,
      %get3A_308 = vector.shape_cast %get3A_307 : vector<1x16xf32> to vector<16xf32>
      %mul3A_309 = arith.mulf %get3A_308, %broadcast_in_dim3A_300 : vector<16xf32>
      %swap3A_310 = arith.index_cast %add3A_304 : i32 to index
      %swap3A_311 = arith.constant 0 : index
      %swap3A_312 = tpu.vector_load %arg8[%swap3A_310, %swap3A_311] {strides = array<i32>} : memref<512x64xf32, #tpu.memory_space<vmem>>, vector<1x16xf32>,
      %swap3A_313 = vector.shape_cast %swap3A_312 : vector<1x16xf32> to vector<16xf32>
      %swap3A_314 = vector.shape_cast %mul3A_309 : vector<16xf32> to vector<1x16xf32>
      tpu.vector_store %arg8[%swap3A_310, %swap3A_311], %swap3A_314 {strides = array<i32>} : memref<512x64xf32, #tpu.memory_space<vmem>>, vector<1x16xf32>,
      %get3A_315 = arith.index_cast %add3A_304 : i32 to index
      %get3A_316 = arith.constant 16 : index
      %get3A_317 = tpu.vector_load %arg8[%get3A_315, %get3A_316] {strides = array<i32>} : memref<512x64xf32, #tpu.memory_space<vmem>>, vector<1x16xf32>,
      %get3A_318 = vector.shape_cast %get3A_317 : vector<1x16xf32> to vector<16xf32>
      %mul3A_319 = arith.mulf %get3A_318, %broadcast_in_dim3A_300 : vector<16xf32>
      %swap3A_320 = arith.index_cast %add3A_304 : i32 to index
      %swap3A_321 = arith.constant 16 : index
      %swap3A_322 = tpu.vector_load %arg8[%swap3A_320, %swap3A_321] {strides = array<i32>} : memref<512x64xf32, #tpu.memory_space<vmem>>, vector<1x16xf32>,
      %swap3A_323 = vector.shape_cast %swap3A_322 : vector<1x16xf32> to vector<16xf32>
      %swap3A_324 = vector.shape_cast %mul3A_319 : vector<16xf32> to vector<1x16xf32>
      tpu.vector_store %arg8[%swap3A_320, %swap3A_321], %swap3A_324 {strides = array<i32>} : memref<512x64xf32, #tpu.memory_space<vmem>>, vector<1x16xf32>,
      %get3A_325 = arith.index_cast %add3A_304 : i32 to index
      %get3A_326 = arith.constant 32 : index
      %get3A_327 = tpu.vector_load %arg8[%get3A_325, %get3A_326] {strides = array<i32>} : memref<512x64xf32, #tpu.memory_space<vmem>>, vector<1x16xf32>,
      %get3A_328 = vector.shape_cast %get3A_327 : vector<1x16xf32> to vector<16xf32>
      %mul3A_329 = arith.mulf %get3A_328, %broadcast_in_dim3A_300 : vector<16xf32>
      %swap3A_330 = arith.index_cast %add3A_304 : i32 to index
      %swap3A_331 = arith.constant 32 : index
      %swap3A_332 = tpu.vector_load %arg8[%swap3A_330, %swap3A_331] {strides = array<i32>} : memref<512x64xf32, #tpu.memory_space<vmem>>, vector<1x16xf32>,
      %swap3A_333 = vector.shape_cast %swap3A_332 : vector<1x16xf32> to vector<16xf32>
      %swap3A_334 = vector.shape_cast %mul3A_329 : vector<16xf32> to vector<1x16xf32>
      tpu.vector_store %arg8[%swap3A_330, %swap3A_331], %swap3A_334 {strides = array<i32>} : memref<512x64xf32, #tpu.memory_space<vmem>>, vector<1x16xf32>,
      %get3A_335 = arith.index_cast %add3A_304 : i32 to index
      %get3A_336 = arith.constant 48 : index
      %get3A_337 = tpu.vector_load %arg8[%get3A_335, %get3A_336] {strides = array<i32>} : memref<512x64xf32, #tpu.memory_space<vmem>>, vector<1x16xf32>,
      %get3A_338 = vector.shape_cast %get3A_337 : vector<1x16xf32> to vector<16xf32>
      %mul3A_339 = arith.mulf %get3A_338, %broadcast_in_dim3A_300 : vector<16xf32>
      %swap3A_340 = arith.index_cast %add3A_304 : i32 to index
      %swap3A_341 = arith.constant 48 : index
      %swap3A_342 = tpu.vector_load %arg8[%swap3A_340, %swap3A_341] {strides = array<i32>} : memref<512x64xf32, #tpu.memory_space<vmem>>, vector<1x16xf32>,
      %swap3A_343 = vector.shape_cast %swap3A_342 : vector<1x16xf32> to vector<16xf32>
      %swap3A_344 = vector.shape_cast %mul3A_339 : vector<16xf32> to vector<1x16xf32>
      tpu.vector_store %arg8[%swap3A_340, %swap3A_341], %swap3A_344 {strides = array<i32>} : memref<512x64xf32, #tpu.memory_space<vmem>>, vector<1x16xf32>,
      %slice3A_345 = vector.extract_strided_slice %get3A_19 {offsets = [7], sizes = [1], strides = [1]} : vector<16xf32> to vector<1xf32>
      %squeeze3A_346 = vector.extract %slice3A_345[0] : f32 from vector<1xf32>
      %broadcast_in_dim3A_347 = vector.broadcast %squeeze3A_346 : f32 to vector<16xf32>
      %mul3A_348 = arith.constant 16 : i32
      %mul3A_349 = arith.muli %scan3A_15, %mul3A_348 : i32
      %add3A_350 = arith.constant 7 : i32
      %add3A_351 = arith.addi %mul3A_349, %add3A_350 : i32
      %get3A_352 = arith.index_cast %add3A_351 : i32 to index
      %get3A_353 = arith.constant 0 : index
      %get3A_354 = tpu.vector_load %arg8[%get3A_352, %get3A_353] {strides = array<i32>} : memref<512x64xf32, #tpu.memory_space<vmem>>, vector<1x16xf32>,
      %get3A_355 = vector.shape_cast %get3A_354 : vector<1x16xf32> to vector<16xf32>
      %mul3A_356 = arith.mulf %get3A_355, %broadcast_in_dim3A_347 : vector<16xf32>
      %swap3A_357 = arith.index_cast %add3A_351 : i32 to index
      %swap3A_358 = arith.constant 0 : index
      %swap3A_359 = tpu.vector_load %arg8[%swap3A_357, %swap3A_358] {strides = array<i32>} : memref<512x64xf32, #tpu.memory_space<vmem>>, vector<1x16xf32>,
      %swap3A_360 = vector.shape_cast %swap3A_359 : vector<1x16xf32> to vector<16xf32>
      %swap3A_361 = vector.shape_cast %mul3A_356 : vector<16xf32> to vector<1x16xf32>
      tpu.vector_store %arg8[%swap3A_357, %swap3A_358], %swap3A_361 {strides = array<i32>} : memref<512x64xf32, #tpu.memory_space<vmem>>, vector<1x16xf32>,
      %get3A_362 = arith.index_cast %add3A_351 : i32 to index
      %get3A_363 = arith.constant 16 : index
      %get3A_364 = tpu.vector_load %arg8[%get3A_362, %get3A_363] {strides = array<i32>} : memref<512x64xf32, #tpu.memory_space<vmem>>, vector<1x16xf32>,
      %get3A_365 = vector.shape_cast %get3A_364 : vector<1x16xf32> to vector<16xf32>
      %mul3A_366 = arith.mulf %get3A_365, %broadcast_in_dim3A_347 : vector<16xf32>
      %swap3A_367 = arith.index_cast %add3A_351 : i32 to index
      %swap3A_368 = arith.constant 16 : index
      %swap3A_369 = tpu.vector_load %arg8[%swap3A_367, %swap3A_368] {strides = array<i32>} : memref<512x64xf32, #tpu.memory_space<vmem>>, vector<1x16xf32>,
      %swap3A_370 = vector.shape_cast %swap3A_369 : vector<1x16xf32> to vector<16xf32>
      %swap3A_371 = vector.shape_cast %mul3A_366 : vector<16xf32> to vector<1x16xf32>
      tpu.vector_store %arg8[%swap3A_367, %swap3A_368], %swap3A_371 {strides = array<i32>} : memref<512x64xf32, #tpu.memory_space<vmem>>, vector<1x16xf32>,
      %get3A_372 = arith.index_cast %add3A_351 : i32 to index
      %get3A_373 = arith.constant 32 : index
      %get3A_374 = tpu.vector_load %arg8[%get3A_372, %get3A_373] {strides = array<i32>} : memref<512x64xf32, #tpu.memory_space<vmem>>, vector<1x16xf32>,
      %get3A_375 = vector.shape_cast %get3A_374 : vector<1x16xf32> to vector<16xf32>
      %mul3A_376 = arith.mulf %get3A_375, %broadcast_in_dim3A_347 : vector<16xf32>
      %swap3A_377 = arith.index_cast %add3A_351 : i32 to index
      %swap3A_378 = arith.constant 32 : index
      %swap3A_379 = tpu.vector_load %arg8[%swap3A_377, %swap3A_378] {strides = array<i32>} : memref<512x64xf32, #tpu.memory_space<vmem>>, vector<1x16xf32>,
      %swap3A_380 = vector.shape_cast %swap3A_379 : vector<1x16xf32> to vector<16xf32>
      %swap3A_381 = vector.shape_cast %mul3A_376 : vector<16xf32> to vector<1x16xf32>
      tpu.vector_store %arg8[%swap3A_377, %swap3A_378], %swap3A_381 {strides = array<i32>} : memref<512x64xf32, #tpu.memory_space<vmem>>, vector<1x16xf32>,
      %get3A_382 = arith.index_cast %add3A_351 : i32 to index
      %get3A_383 = arith.constant 48 : index
      %get3A_384 = tpu.vector_load %arg8[%get3A_382, %get3A_383] {strides = array<i32>} : memref<512x64xf32, #tpu.memory_space<vmem>>, vector<1x16xf32>,
      %get3A_385 = vector.shape_cast %get3A_384 : vector<1x16xf32> to vector<16xf32>
      %mul3A_386 = arith.mulf %get3A_385, %broadcast_in_dim3A_347 : vector<16xf32>
      %swap3A_387 = arith.index_cast %add3A_351 : i32 to index
      %swap3A_388 = arith.constant 48 : index
      %swap3A_389 = tpu.vector_load %arg8[%swap3A_387, %swap3A_388] {strides = array<i32>} : memref<512x64xf32, #tpu.memory_space<vmem>>, vector<1x16xf32>,
      %swap3A_390 = vector.shape_cast %swap3A_389 : vector<1x16xf32> to vector<16xf32>
      %swap3A_391 = vector.shape_cast %mul3A_386 : vector<16xf32> to vector<1x16xf32>
      tpu.vector_store %arg8[%swap3A_387, %swap3A_388], %swap3A_391 {strides = array<i32>} : memref<512x64xf32, #tpu.memory_space<vmem>>, vector<1x16xf32>,
      %slice3A_392 = vector.extract_strided_slice %get3A_19 {offsets = [8], sizes = [1], strides = [1]} : vector<16xf32> to vector<1xf32>
      %squeeze3A_393 = vector.extract %slice3A_392[0] : f32 from vector<1xf32>
      %broadcast_in_dim3A_394 = vector.broadcast %squeeze3A_393 : f32 to vector<16xf32>
      %mul3A_395 = arith.constant 16 : i32
      %mul3A_396 = arith.muli %scan3A_15, %mul3A_395 : i32
      %add3A_397 = arith.constant 8 : i32
      %add3A_398 = arith.addi %mul3A_396, %add3A_397 : i32
      %get3A_399 = arith.index_cast %add3A_398 : i32 to index
      %get3A_400 = arith.constant 0 : index
      %get3A_401 = tpu.vector_load %arg8[%get3A_399, %get3A_400] {strides = array<i32>} : memref<512x64xf32, #tpu.memory_space<vmem>>, vector<1x16xf32>,
      %get3A_402 = vector.shape_cast %get3A_401 : vector<1x16xf32> to vector<16xf32>
      %mul3A_403 = arith.mulf %get3A_402, %broadcast_in_dim3A_394 : vector<16xf32>
      %swap3A_404 = arith.index_cast %add3A_398 : i32 to index
      %swap3A_405 = arith.constant 0 : index
      %swap3A_406 = tpu.vector_load %arg8[%swap3A_404, %swap3A_405] {strides = array<i32>} : memref<512x64xf32, #tpu.memory_space<vmem>>, vector<1x16xf32>,
      %swap3A_407 = vector.shape_cast %swap3A_406 : vector<1x16xf32> to vector<16xf32>
      %swap3A_408 = vector.shape_cast %mul3A_403 : vector<16xf32> to vector<1x16xf32>
      tpu.vector_store %arg8[%swap3A_404, %swap3A_405], %swap3A_408 {strides = array<i32>} : memref<512x64xf32, #tpu.memory_space<vmem>>, vector<1x16xf32>,
      %get3A_409 = arith.index_cast %add3A_398 : i32 to index
      %get3A_410 = arith.constant 16 : index
      %get3A_411 = tpu.vector_load %arg8[%get3A_409, %get3A_410] {strides = array<i32>} : memref<512x64xf32, #tpu.memory_space<vmem>>, vector<1x16xf32>,
      %get3A_412 = vector.shape_cast %get3A_411 : vector<1x16xf32> to vector<16xf32>
      %mul3A_413 = arith.mulf %get3A_412, %broadcast_in_dim3A_394 : vector<16xf32>
      %swap3A_414 = arith.index_cast %add3A_398 : i32 to index
      %swap3A_415 = arith.constant 16 : index
      %swap3A_416 = tpu.vector_load %arg8[%swap3A_414, %swap3A_415] {strides = array<i32>} : memref<512x64xf32, #tpu.memory_space<vmem>>, vector<1x16xf32>,
      %swap3A_417 = vector.shape_cast %swap3A_416 : vector<1x16xf32> to vector<16xf32>
      %swap3A_418 = vector.shape_cast %mul3A_413 : vector<16xf32> to vector<1x16xf32>
      tpu.vector_store %arg8[%swap3A_414, %swap3A_415], %swap3A_418 {strides = array<i32>} : memref<512x64xf32, #tpu.memory_space<vmem>>, vector<1x16xf32>,
      %get3A_419 = arith.index_cast %add3A_398 : i32 to index
      %get3A_420 = arith.constant 32 : index
      %get3A_421 = tpu.vector_load %arg8[%get3A_419, %get3A_420] {strides = array<i32>} : memref<512x64xf32, #tpu.memory_space<vmem>>, vector<1x16xf32>,
      %get3A_422 = vector.shape_cast %get3A_421 : vector<1x16xf32> to vector<16xf32>
      %mul3A_423 = arith.mulf %get3A_422, %broadcast_in_dim3A_394 : vector<16xf32>
      %swap3A_424 = arith.index_cast %add3A_398 : i32 to index
      %swap3A_425 = arith.constant 32 : index
      %swap3A_426 = tpu.vector_load %arg8[%swap3A_424, %swap3A_425] {strides = array<i32>} : memref<512x64xf32, #tpu.memory_space<vmem>>, vector<1x16xf32>,
      %swap3A_427 = vector.shape_cast %swap3A_426 : vector<1x16xf32> to vector<16xf32>
      %swap3A_428 = vector.shape_cast %mul3A_423 : vector<16xf32> to vector<1x16xf32>
      tpu.vector_store %arg8[%swap3A_424, %swap3A_425], %swap3A_428 {strides = array<i32>} : memref<512x64xf32, #tpu.memory_space<vmem>>, vector<1x16xf32>,
      %get3A_429 = arith.index_cast %add3A_398 : i32 to index
      %get3A_430 = arith.constant 48 : index
      %get3A_431 = tpu.vector_load %arg8[%get3A_429, %get3A_430] {strides = array<i32>} : memref<512x64xf32, #tpu.memory_space<vmem>>, vector<1x16xf32>,
      %get3A_432 = vector.shape_cast %get3A_431 : vector<1x16xf32> to vector<16xf32>
      %mul3A_433 = arith.mulf %get3A_432, %broadcast_in_dim3A_394 : vector<16xf32>
      %swap3A_434 = arith.index_cast %add3A_398 : i32 to index
      %swap3A_435 = arith.constant 48 : index
      %swap3A_436 = tpu.vector_load %arg8[%swap3A_434, %swap3A_435] {strides = array<i32>} : memref<512x64xf32, #tpu.memory_space<vmem>>, vector<1x16xf32>,
      %swap3A_437 = vector.shape_cast %swap3A_436 : vector<1x16xf32> to vector<16xf32>
      %swap3A_438 = vector.shape_cast %mul3A_433 : vector<16xf32> to vector<1x16xf32>
      tpu.vector_store %arg8[%swap3A_434, %swap3A_435], %swap3A_438 {strides = array<i32>} : memref<512x64xf32, #tpu.memory_space<vmem>>, vector<1x16xf32>,
      %slice3A_439 = vector.extract_strided_slice %get3A_19 {offsets = [9], sizes = [1], strides = [1]} : vector<16xf32> to vector<1xf32>
      %squeeze3A_440 = vector.extract %slice3A_439[0] : f32 from vector<1xf32>
      %broadcast_in_dim3A_441 = vector.broadcast %squeeze3A_440 : f32 to vector<16xf32>
      %mul3A_442 = arith.constant 16 : i32
      %mul3A_443 = arith.muli %scan3A_15, %mul3A_442 : i32
      %add3A_444 = arith.constant 9 : i32
      %add3A_445 = arith.addi %mul3A_443, %add3A_444 : i32
      %get3A_446 = arith.index_cast %add3A_445 : i32 to index
      %get3A_447 = arith.constant 0 : index
      %get3A_448 = tpu.vector_load %arg8[%get3A_446, %get3A_447] {strides = array<i32>} : memref<512x64xf32, #tpu.memory_space<vmem>>, vector<1x16xf32>,
      %get3A_449 = vector.shape_cast %get3A_448 : vector<1x16xf32> to vector<16xf32>
      %mul3A_450 = arith.mulf %get3A_449, %broadcast_in_dim3A_441 : vector<16xf32>
      %swap3A_451 = arith.index_cast %add3A_445 : i32 to index
      %swap3A_452 = arith.constant 0 : index
      %swap3A_453 = tpu.vector_load %arg8[%swap3A_451, %swap3A_452] {strides = array<i32>} : memref<512x64xf32, #tpu.memory_space<vmem>>, vector<1x16xf32>,
      %swap3A_454 = vector.shape_cast %swap3A_453 : vector<1x16xf32> to vector<16xf32>
      %swap3A_455 = vector.shape_cast %mul3A_450 : vector<16xf32> to vector<1x16xf32>
      tpu.vector_store %arg8[%swap3A_451, %swap3A_452], %swap3A_455 {strides = array<i32>} : memref<512x64xf32, #tpu.memory_space<vmem>>, vector<1x16xf32>,
      %get3A_456 = arith.index_cast %add3A_445 : i32 to index
      %get3A_457 = arith.constant 16 : index
      %get3A_458 = tpu.vector_load %arg8[%get3A_456, %get3A_457] {strides = array<i32>} : memref<512x64xf32, #tpu.memory_space<vmem>>, vector<1x16xf32>,
      %get3A_459 = vector.shape_cast %get3A_458 : vector<1x16xf32> to vector<16xf32>
      %mul3A_460 = arith.mulf %get3A_459, %broadcast_in_dim3A_441 : vector<16xf32>
      %swap3A_461 = arith.index_cast %add3A_445 : i32 to index
      %swap3A_462 = arith.constant 16 : index
      %swap3A_463 = tpu.vector_load %arg8[%swap3A_461, %swap3A_462] {strides = array<i32>} : memref<512x64xf32, #tpu.memory_space<vmem>>, vector<1x16xf32>,
      %swap3A_464 = vector.shape_cast %swap3A_463 : vector<1x16xf32> to vector<16xf32>
      %swap3A_465 = vector.shape_cast %mul3A_460 : vector<16xf32> to vector<1x16xf32>
      tpu.vector_store %arg8[%swap3A_461, %swap3A_462], %swap3A_465 {strides = array<i32>} : memref<512x64xf32, #tpu.memory_space<vmem>>, vector<1x16xf32>,
      %get3A_466 = arith.index_cast %add3A_445 : i32 to index
      %get3A_467 = arith.constant 32 : index
      %get3A_468 = tpu.vector_load %arg8[%get3A_466, %get3A_467] {strides = array<i32>} : memref<512x64xf32, #tpu.memory_space<vmem>>, vector<1x16xf32>,
      %get3A_469 = vector.shape_cast %get3A_468 : vector<1x16xf32> to vector<16xf32>
      %mul3A_470 = arith.mulf %get3A_469, %broadcast_in_dim3A_441 : vector<16xf32>
      %swap3A_471 = arith.index_cast %add3A_445 : i32 to index
      %swap3A_472 = arith.constant 32 : index
      %swap3A_473 = tpu.vector_load %arg8[%swap3A_471, %swap3A_472] {strides = array<i32>} : memref<512x64xf32, #tpu.memory_space<vmem>>, vector<1x16xf32>,
      %swap3A_474 = vector.shape_cast %swap3A_473 : vector<1x16xf32> to vector<16xf32>
      %swap3A_475 = vector.shape_cast %mul3A_470 : vector<16xf32> to vector<1x16xf32>
      tpu.vector_store %arg8[%swap3A_471, %swap3A_472], %swap3A_475 {strides = array<i32>} : memref<512x64xf32, #tpu.memory_space<vmem>>, vector<1x16xf32>,
      %get3A_476 = arith.index_cast %add3A_445 : i32 to index
      %get3A_477 = arith.constant 48 : index
      %get3A_478 = tpu.vector_load %arg8[%get3A_476, %get3A_477] {strides = array<i32>} : memref<512x64xf32, #tpu.memory_space<vmem>>, vector<1x16xf32>,
      %get3A_479 = vector.shape_cast %get3A_478 : vector<1x16xf32> to vector<16xf32>
      %mul3A_480 = arith.mulf %get3A_479, %broadcast_in_dim3A_441 : vector<16xf32>
      %swap3A_481 = arith.index_cast %add3A_445 : i32 to index
      %swap3A_482 = arith.constant 48 : index
      %swap3A_483 = tpu.vector_load %arg8[%swap3A_481, %swap3A_482] {strides = array<i32>} : memref<512x64xf32, #tpu.memory_space<vmem>>, vector<1x16xf32>,
      %swap3A_484 = vector.shape_cast %swap3A_483 : vector<1x16xf32> to vector<16xf32>
      %swap3A_485 = vector.shape_cast %mul3A_480 : vector<16xf32> to vector<1x16xf32>
      tpu.vector_store %arg8[%swap3A_481, %swap3A_482], %swap3A_485 {strides = array<i32>} : memref<512x64xf32, #tpu.memory_space<vmem>>, vector<1x16xf32>,
      %slice3A_486 = vector.extract_strided_slice %get3A_19 {offsets = [10], sizes = [1], strides = [1]} : vector<16xf32> to vector<1xf32>
      %squeeze3A_487 = vector.extract %slice3A_486[0] : f32 from vector<1xf32>
      %broadcast_in_dim3A_488 = vector.broadcast %squeeze3A_487 : f32 to vector<16xf32>
      %mul3A_489 = arith.constant 16 : i32
      %mul3A_490 = arith.muli %scan3A_15, %mul3A_489 : i32
      %add3A_491 = arith.constant 10 : i32
      %add3A_492 = arith.addi %mul3A_490, %add3A_491 : i32
      %get3A_493 = arith.index_cast %add3A_492 : i32 to index
      %get3A_494 = arith.constant 0 : index
      %get3A_495 = tpu.vector_load %arg8[%get3A_493, %get3A_494] {strides = array<i32>} : memref<512x64xf32, #tpu.memory_space<vmem>>, vector<1x16xf32>,
      %get3A_496 = vector.shape_cast %get3A_495 : vector<1x16xf32> to vector<16xf32>
      %mul3A_497 = arith.mulf %get3A_496, %broadcast_in_dim3A_488 : vector<16xf32>
      %swap3A_498 = arith.index_cast %add3A_492 : i32 to index
      %swap3A_499 = arith.constant 0 : index
      %swap3A_500 = tpu.vector_load %arg8[%swap3A_498, %swap3A_499] {strides = array<i32>} : memref<512x64xf32, #tpu.memory_space<vmem>>, vector<1x16xf32>,
      %swap3A_501 = vector.shape_cast %swap3A_500 : vector<1x16xf32> to vector<16xf32>
      %swap3A_502 = vector.shape_cast %mul3A_497 : vector<16xf32> to vector<1x16xf32>
      tpu.vector_store %arg8[%swap3A_498, %swap3A_499], %swap3A_502 {strides = array<i32>} : memref<512x64xf32, #tpu.memory_space<vmem>>, vector<1x16xf32>,
      %get3A_503 = arith.index_cast %add3A_492 : i32 to index
      %get3A_504 = arith.constant 16 : index
      %get3A_505 = tpu.vector_load %arg8[%get3A_503, %get3A_504] {strides = array<i32>} : memref<512x64xf32, #tpu.memory_space<vmem>>, vector<1x16xf32>,
      %get3A_506 = vector.shape_cast %get3A_505 : vector<1x16xf32> to vector<16xf32>
      %mul3A_507 = arith.mulf %get3A_506, %broadcast_in_dim3A_488 : vector<16xf32>
      %swap3A_508 = arith.index_cast %add3A_492 : i32 to index
      %swap3A_509 = arith.constant 16 : index
      %swap3A_510 = tpu.vector_load %arg8[%swap3A_508, %swap3A_509] {strides = array<i32>} : memref<512x64xf32, #tpu.memory_space<vmem>>, vector<1x16xf32>,
      %swap3A_511 = vector.shape_cast %swap3A_510 : vector<1x16xf32> to vector<16xf32>
      %swap3A_512 = vector.shape_cast %mul3A_507 : vector<16xf32> to vector<1x16xf32>
      tpu.vector_store %arg8[%swap3A_508, %swap3A_509], %swap3A_512 {strides = array<i32>} : memref<512x64xf32, #tpu.memory_space<vmem>>, vector<1x16xf32>,
      %get3A_513 = arith.index_cast %add3A_492 : i32 to index
      %get3A_514 = arith.constant 32 : index
      %get3A_515 = tpu.vector_load %arg8[%get3A_513, %get3A_514] {strides = array<i32>} : memref<512x64xf32, #tpu.memory_space<vmem>>, vector<1x16xf32>,
      %get3A_516 = vector.shape_cast %get3A_515 : vector<1x16xf32> to vector<16xf32>
      %mul3A_517 = arith.mulf %get3A_516, %broadcast_in_dim3A_488 : vector<16xf32>
      %swap3A_518 = arith.index_cast %add3A_492 : i32 to index
      %swap3A_519 = arith.constant 32 : index
      %swap3A_520 = tpu.vector_load %arg8[%swap3A_518, %swap3A_519] {strides = array<i32>} : memref<512x64xf32, #tpu.memory_space<vmem>>, vector<1x16xf32>,
      %swap3A_521 = vector.shape_cast %swap3A_520 : vector<1x16xf32> to vector<16xf32>
      %swap3A_522 = vector.shape_cast %mul3A_517 : vector<16xf32> to vector<1x16xf32>
      tpu.vector_store %arg8[%swap3A_518, %swap3A_519], %swap3A_522 {strides = array<i32>} : memref<512x64xf32, #tpu.memory_space<vmem>>, vector<1x16xf32>,
      %get3A_523 = arith.index_cast %add3A_492 : i32 to index
      %get3A_524 = arith.constant 48 : index
      %get3A_525 = tpu.vector_load %arg8[%get3A_523, %get3A_524] {strides = array<i32>} : memref<512x64xf32, #tpu.memory_space<vmem>>, vector<1x16xf32>,
      %get3A_526 = vector.shape_cast %get3A_525 : vector<1x16xf32> to vector<16xf32>
      %mul3A_527 = arith.mulf %get3A_526, %broadcast_in_dim3A_488 : vector<16xf32>
      %swap3A_528 = arith.index_cast %add3A_492 : i32 to index
      %swap3A_529 = arith.constant 48 : index
      %swap3A_530 = tpu.vector_load %arg8[%swap3A_528, %swap3A_529] {strides = array<i32>} : memref<512x64xf32, #tpu.memory_space<vmem>>, vector<1x16xf32>,
      %swap3A_531 = vector.shape_cast %swap3A_530 : vector<1x16xf32> to vector<16xf32>
      %swap3A_532 = vector.shape_cast %mul3A_527 : vector<16xf32> to vector<1x16xf32>
      tpu.vector_store %arg8[%swap3A_528, %swap3A_529], %swap3A_532 {strides = array<i32>} : memref<512x64xf32, #tpu.memory_space<vmem>>, vector<1x16xf32>,
      %slice3A_533 = vector.extract_strided_slice %get3A_19 {offsets = [11], sizes = [1], strides = [1]} : vector<16xf32> to vector<1xf32>
      %squeeze3A_534 = vector.extract %slice3A_533[0] : f32 from vector<1xf32>
      %broadcast_in_dim3A_535 = vector.broadcast %squeeze3A_534 : f32 to vector<16xf32>
      %mul3A_536 = arith.constant 16 : i32
      %mul3A_537 = arith.muli %scan3A_15, %mul3A_536 : i32
      %add3A_538 = arith.constant 11 : i32
      %add3A_539 = arith.addi %mul3A_537, %add3A_538 : i32
      %get3A_540 = arith.index_cast %add3A_539 : i32 to index
      %get3A_541 = arith.constant 0 : index
      %get3A_542 = tpu.vector_load %arg8[%get3A_540, %get3A_541] {strides = array<i32>} : memref<512x64xf32, #tpu.memory_space<vmem>>, vector<1x16xf32>,
      %get3A_543 = vector.shape_cast %get3A_542 : vector<1x16xf32> to vector<16xf32>
      %mul3A_544 = arith.mulf %get3A_543, %broadcast_in_dim3A_535 : vector<16xf32>
      %swap3A_545 = arith.index_cast %add3A_539 : i32 to index
      %swap3A_546 = arith.constant 0 : index
      %swap3A_547 = tpu.vector_load %arg8[%swap3A_545, %swap3A_546] {strides = array<i32>} : memref<512x64xf32, #tpu.memory_space<vmem>>, vector<1x16xf32>,
      %swap3A_548 = vector.shape_cast %swap3A_547 : vector<1x16xf32> to vector<16xf32>
      %swap3A_549 = vector.shape_cast %mul3A_544 : vector<16xf32> to vector<1x16xf32>
      tpu.vector_store %arg8[%swap3A_545, %swap3A_546], %swap3A_549 {strides = array<i32>} : memref<512x64xf32, #tpu.memory_space<vmem>>, vector<1x16xf32>,
      %get3A_550 = arith.index_cast %add3A_539 : i32 to index
      %get3A_551 = arith.constant 16 : index
      %get3A_552 = tpu.vector_load %arg8[%get3A_550, %get3A_551] {strides = array<i32>} : memref<512x64xf32, #tpu.memory_space<vmem>>, vector<1x16xf32>,
      %get3A_553 = vector.shape_cast %get3A_552 : vector<1x16xf32> to vector<16xf32>
      %mul3A_554 = arith.mulf %get3A_553, %broadcast_in_dim3A_535 : vector<16xf32>
      %swap3A_555 = arith.index_cast %add3A_539 : i32 to index
      %swap3A_556 = arith.constant 16 : index
      %swap3A_557 = tpu.vector_load %arg8[%swap3A_555, %swap3A_556] {strides = array<i32>} : memref<512x64xf32, #tpu.memory_space<vmem>>, vector<1x16xf32>,
      %swap3A_558 = vector.shape_cast %swap3A_557 : vector<1x16xf32> to vector<16xf32>
      %swap3A_559 = vector.shape_cast %mul3A_554 : vector<16xf32> to vector<1x16xf32>
      tpu.vector_store %arg8[%swap3A_555, %swap3A_556], %swap3A_559 {strides = array<i32>} : memref<512x64xf32, #tpu.memory_space<vmem>>, vector<1x16xf32>,
      %get3A_560 = arith.index_cast %add3A_539 : i32 to index
      %get3A_561 = arith.constant 32 : index
      %get3A_562 = tpu.vector_load %arg8[%get3A_560, %get3A_561] {strides = array<i32>} : memref<512x64xf32, #tpu.memory_space<vmem>>, vector<1x16xf32>,
      %get3A_563 = vector.shape_cast %get3A_562 : vector<1x16xf32> to vector<16xf32>
      %mul3A_564 = arith.mulf %get3A_563, %broadcast_in_dim3A_535 : vector<16xf32>
      %swap3A_565 = arith.index_cast %add3A_539 : i32 to index
      %swap3A_566 = arith.constant 32 : index
      %swap3A_567 = tpu.vector_load %arg8[%swap3A_565, %swap3A_566] {strides = array<i32>} : memref<512x64xf32, #tpu.memory_space<vmem>>, vector<1x16xf32>,
      %swap3A_568 = vector.shape_cast %swap3A_567 : vector<1x16xf32> to vector<16xf32>
      %swap3A_569 = vector.shape_cast %mul3A_564 : vector<16xf32> to vector<1x16xf32>
      tpu.vector_store %arg8[%swap3A_565, %swap3A_566], %swap3A_569 {strides = array<i32>} : memref<512x64xf32, #tpu.memory_space<vmem>>, vector<1x16xf32>,
      %get3A_570 = arith.index_cast %add3A_539 : i32 to index
      %get3A_571 = arith.constant 48 : index
      %get3A_572 = tpu.vector_load %arg8[%get3A_570, %get3A_571] {strides = array<i32>} : memref<512x64xf32, #tpu.memory_space<vmem>>, vector<1x16xf32>,
      %get3A_573 = vector.shape_cast %get3A_572 : vector<1x16xf32> to vector<16xf32>
      %mul3A_574 = arith.mulf %get3A_573, %broadcast_in_dim3A_535 : vector<16xf32>
      %swap3A_575 = arith.index_cast %add3A_539 : i32 to index
      %swap3A_576 = arith.constant 48 : index
      %swap3A_577 = tpu.vector_load %arg8[%swap3A_575, %swap3A_576] {strides = array<i32>} : memref<512x64xf32, #tpu.memory_space<vmem>>, vector<1x16xf32>,
      %swap3A_578 = vector.shape_cast %swap3A_577 : vector<1x16xf32> to vector<16xf32>
      %swap3A_579 = vector.shape_cast %mul3A_574 : vector<16xf32> to vector<1x16xf32>
      tpu.vector_store %arg8[%swap3A_575, %swap3A_576], %swap3A_579 {strides = array<i32>} : memref<512x64xf32, #tpu.memory_space<vmem>>, vector<1x16xf32>,
      %slice3A_580 = vector.extract_strided_slice %get3A_19 {offsets = [12], sizes = [1], strides = [1]} : vector<16xf32> to vector<1xf32>
      %squeeze3A_581 = vector.extract %slice3A_580[0] : f32 from vector<1xf32>
      %broadcast_in_dim3A_582 = vector.broadcast %squeeze3A_581 : f32 to vector<16xf32>
      %mul3A_583 = arith.constant 16 : i32
      %mul3A_584 = arith.muli %scan3A_15, %mul3A_583 : i32
      %add3A_585 = arith.constant 12 : i32
      %add3A_586 = arith.addi %mul3A_584, %add3A_585 : i32
      %get3A_587 = arith.index_cast %add3A_586 : i32 to index
      %get3A_588 = arith.constant 0 : index
      %get3A_589 = tpu.vector_load %arg8[%get3A_587, %get3A_588] {strides = array<i32>} : memref<512x64xf32, #tpu.memory_space<vmem>>, vector<1x16xf32>,
      %get3A_590 = vector.shape_cast %get3A_589 : vector<1x16xf32> to vector<16xf32>
      %mul3A_591 = arith.mulf %get3A_590, %broadcast_in_dim3A_582 : vector<16xf32>
      %swap3A_592 = arith.index_cast %add3A_586 : i32 to index
      %swap3A_593 = arith.constant 0 : index
      %swap3A_594 = tpu.vector_load %arg8[%swap3A_592, %swap3A_593] {strides = array<i32>} : memref<512x64xf32, #tpu.memory_space<vmem>>, vector<1x16xf32>,
      %swap3A_595 = vector.shape_cast %swap3A_594 : vector<1x16xf32> to vector<16xf32>
      %swap3A_596 = vector.shape_cast %mul3A_591 : vector<16xf32> to vector<1x16xf32>
      tpu.vector_store %arg8[%swap3A_592, %swap3A_593], %swap3A_596 {strides = array<i32>} : memref<512x64xf32, #tpu.memory_space<vmem>>, vector<1x16xf32>,
      %get3A_597 = arith.index_cast %add3A_586 : i32 to index
      %get3A_598 = arith.constant 16 : index
      %get3A_599 = tpu.vector_load %arg8[%get3A_597, %get3A_598] {strides = array<i32>} : memref<512x64xf32, #tpu.memory_space<vmem>>, vector<1x16xf32>,
      %get3A_600 = vector.shape_cast %get3A_599 : vector<1x16xf32> to vector<16xf32>
      %mul3A_601 = arith.mulf %get3A_600, %broadcast_in_dim3A_582 : vector<16xf32>
      %swap3A_602 = arith.index_cast %add3A_586 : i32 to index
      %swap3A_603 = arith.constant 16 : index
      %swap3A_604 = tpu.vector_load %arg8[%swap3A_602, %swap3A_603] {strides = array<i32>} : memref<512x64xf32, #tpu.memory_space<vmem>>, vector<1x16xf32>,
      %swap3A_605 = vector.shape_cast %swap3A_604 : vector<1x16xf32> to vector<16xf32>
      %swap3A_606 = vector.shape_cast %mul3A_601 : vector<16xf32> to vector<1x16xf32>
      tpu.vector_store %arg8[%swap3A_602, %swap3A_603], %swap3A_606 {strides = array<i32>} : memref<512x64xf32, #tpu.memory_space<vmem>>, vector<1x16xf32>,
      %get3A_607 = arith.index_cast %add3A_586 : i32 to index
      %get3A_608 = arith.constant 32 : index
      %get3A_609 = tpu.vector_load %arg8[%get3A_607, %get3A_608] {strides = array<i32>} : memref<512x64xf32, #tpu.memory_space<vmem>>, vector<1x16xf32>,
      %get3A_610 = vector.shape_cast %get3A_609 : vector<1x16xf32> to vector<16xf32>
      %mul3A_611 = arith.mulf %get3A_610, %broadcast_in_dim3A_582 : vector<16xf32>
      %swap3A_612 = arith.index_cast %add3A_586 : i32 to index
      %swap3A_613 = arith.constant 32 : index
      %swap3A_614 = tpu.vector_load %arg8[%swap3A_612, %swap3A_613] {strides = array<i32>} : memref<512x64xf32, #tpu.memory_space<vmem>>, vector<1x16xf32>,
      %swap3A_615 = vector.shape_cast %swap3A_614 : vector<1x16xf32> to vector<16xf32>
      %swap3A_616 = vector.shape_cast %mul3A_611 : vector<16xf32> to vector<1x16xf32>
      tpu.vector_store %arg8[%swap3A_612, %swap3A_613], %swap3A_616 {strides = array<i32>} : memref<512x64xf32, #tpu.memory_space<vmem>>, vector<1x16xf32>,
      %get3A_617 = arith.index_cast %add3A_586 : i32 to index
      %get3A_618 = arith.constant 48 : index
      %get3A_619 = tpu.vector_load %arg8[%get3A_617, %get3A_618] {strides = array<i32>} : memref<512x64xf32, #tpu.memory_space<vmem>>, vector<1x16xf32>,
      %get3A_620 = vector.shape_cast %get3A_619 : vector<1x16xf32> to vector<16xf32>
      %mul3A_621 = arith.mulf %get3A_620, %broadcast_in_dim3A_582 : vector<16xf32>
      %swap3A_622 = arith.index_cast %add3A_586 : i32 to index
      %swap3A_623 = arith.constant 48 : index
      %swap3A_624 = tpu.vector_load %arg8[%swap3A_622, %swap3A_623] {strides = array<i32>} : memref<512x64xf32, #tpu.memory_space<vmem>>, vector<1x16xf32>,
      %swap3A_625 = vector.shape_cast %swap3A_624 : vector<1x16xf32> to vector<16xf32>
      %swap3A_626 = vector.shape_cast %mul3A_621 : vector<16xf32> to vector<1x16xf32>
      tpu.vector_store %arg8[%swap3A_622, %swap3A_623], %swap3A_626 {strides = array<i32>} : memref<512x64xf32, #tpu.memory_space<vmem>>, vector<1x16xf32>,
      %slice3A_627 = vector.extract_strided_slice %get3A_19 {offsets = [13], sizes = [1], strides = [1]} : vector<16xf32> to vector<1xf32>
      %squeeze3A_628 = vector.extract %slice3A_627[0] : f32 from vector<1xf32>
      %broadcast_in_dim3A_629 = vector.broadcast %squeeze3A_628 : f32 to vector<16xf32>
      %mul3A_630 = arith.constant 16 : i32
      %mul3A_631 = arith.muli %scan3A_15, %mul3A_630 : i32
      %add3A_632 = arith.constant 13 : i32
      %add3A_633 = arith.addi %mul3A_631, %add3A_632 : i32
      %get3A_634 = arith.index_cast %add3A_633 : i32 to index
      %get3A_635 = arith.constant 0 : index
      %get3A_636 = tpu.vector_load %arg8[%get3A_634, %get3A_635] {strides = array<i32>} : memref<512x64xf32, #tpu.memory_space<vmem>>, vector<1x16xf32>,
      %get3A_637 = vector.shape_cast %get3A_636 : vector<1x16xf32> to vector<16xf32>
      %mul3A_638 = arith.mulf %get3A_637, %broadcast_in_dim3A_629 : vector<16xf32>
      %swap3A_639 = arith.index_cast %add3A_633 : i32 to index
      %swap3A_640 = arith.constant 0 : index
      %swap3A_641 = tpu.vector_load %arg8[%swap3A_639, %swap3A_640] {strides = array<i32>} : memref<512x64xf32, #tpu.memory_space<vmem>>, vector<1x16xf32>,
      %swap3A_642 = vector.shape_cast %swap3A_641 : vector<1x16xf32> to vector<16xf32>
      %swap3A_643 = vector.shape_cast %mul3A_638 : vector<16xf32> to vector<1x16xf32>
      tpu.vector_store %arg8[%swap3A_639, %swap3A_640], %swap3A_643 {strides = array<i32>} : memref<512x64xf32, #tpu.memory_space<vmem>>, vector<1x16xf32>,
      %get3A_644 = arith.index_cast %add3A_633 : i32 to index
      %get3A_645 = arith.constant 16 : index
      %get3A_646 = tpu.vector_load %arg8[%get3A_644, %get3A_645] {strides = array<i32>} : memref<512x64xf32, #tpu.memory_space<vmem>>, vector<1x16xf32>,
      %get3A_647 = vector.shape_cast %get3A_646 : vector<1x16xf32> to vector<16xf32>
      %mul3A_648 = arith.mulf %get3A_647, %broadcast_in_dim3A_629 : vector<16xf32>
      %swap3A_649 = arith.index_cast %add3A_633 : i32 to index
      %swap3A_650 = arith.constant 16 : index
      %swap3A_651 = tpu.vector_load %arg8[%swap3A_649, %swap3A_650] {strides = array<i32>} : memref<512x64xf32, #tpu.memory_space<vmem>>, vector<1x16xf32>,
      %swap3A_652 = vector.shape_cast %swap3A_651 : vector<1x16xf32> to vector<16xf32>
      %swap3A_653 = vector.shape_cast %mul3A_648 : vector<16xf32> to vector<1x16xf32>
      tpu.vector_store %arg8[%swap3A_649, %swap3A_650], %swap3A_653 {strides = array<i32>} : memref<512x64xf32, #tpu.memory_space<vmem>>, vector<1x16xf32>,
      %get3A_654 = arith.index_cast %add3A_633 : i32 to index
      %get3A_655 = arith.constant 32 : index
      %get3A_656 = tpu.vector_load %arg8[%get3A_654, %get3A_655] {strides = array<i32>} : memref<512x64xf32, #tpu.memory_space<vmem>>, vector<1x16xf32>,
      %get3A_657 = vector.shape_cast %get3A_656 : vector<1x16xf32> to vector<16xf32>
      %mul3A_658 = arith.mulf %get3A_657, %broadcast_in_dim3A_629 : vector<16xf32>
      %swap3A_659 = arith.index_cast %add3A_633 : i32 to index
      %swap3A_660 = arith.constant 32 : index
      %swap3A_661 = tpu.vector_load %arg8[%swap3A_659, %swap3A_660] {strides = array<i32>} : memref<512x64xf32, #tpu.memory_space<vmem>>, vector<1x16xf32>,
      %swap3A_662 = vector.shape_cast %swap3A_661 : vector<1x16xf32> to vector<16xf32>
      %swap3A_663 = vector.shape_cast %mul3A_658 : vector<16xf32> to vector<1x16xf32>
      tpu.vector_store %arg8[%swap3A_659, %swap3A_660], %swap3A_663 {strides = array<i32>} : memref<512x64xf32, #tpu.memory_space<vmem>>, vector<1x16xf32>,
      %get3A_664 = arith.index_cast %add3A_633 : i32 to index
      %get3A_665 = arith.constant 48 : index
      %get3A_666 = tpu.vector_load %arg8[%get3A_664, %get3A_665] {strides = array<i32>} : memref<512x64xf32, #tpu.memory_space<vmem>>, vector<1x16xf32>,
      %get3A_667 = vector.shape_cast %get3A_666 : vector<1x16xf32> to vector<16xf32>
      %mul3A_668 = arith.mulf %get3A_667, %broadcast_in_dim3A_629 : vector<16xf32>
      %swap3A_669 = arith.index_cast %add3A_633 : i32 to index
      %swap3A_670 = arith.constant 48 : index
      %swap3A_671 = tpu.vector_load %arg8[%swap3A_669, %swap3A_670] {strides = array<i32>} : memref<512x64xf32, #tpu.memory_space<vmem>>, vector<1x16xf32>,
      %swap3A_672 = vector.shape_cast %swap3A_671 : vector<1x16xf32> to vector<16xf32>
      %swap3A_673 = vector.shape_cast %mul3A_668 : vector<16xf32> to vector<1x16xf32>
      tpu.vector_store %arg8[%swap3A_669, %swap3A_670], %swap3A_673 {strides = array<i32>} : memref<512x64xf32, #tpu.memory_space<vmem>>, vector<1x16xf32>,
      %slice3A_674 = vector.extract_strided_slice %get3A_19 {offsets = [14], sizes = [1], strides = [1]} : vector<16xf32> to vector<1xf32>
      %squeeze3A_675 = vector.extract %slice3A_674[0] : f32 from vector<1xf32>
      %broadcast_in_dim3A_676 = vector.broadcast %squeeze3A_675 : f32 to vector<16xf32>
      %mul3A_677 = arith.constant 16 : i32
      %mul3A_678 = arith.muli %scan3A_15, %mul3A_677 : i32
      %add3A_679 = arith.constant 14 : i32
      %add3A_680 = arith.addi %mul3A_678, %add3A_679 : i32
      %get3A_681 = arith.index_cast %add3A_680 : i32 to index
      %get3A_682 = arith.constant 0 : index
      %get3A_683 = tpu.vector_load %arg8[%get3A_681, %get3A_682] {strides = array<i32>} : memref<512x64xf32, #tpu.memory_space<vmem>>, vector<1x16xf32>,
      %get3A_684 = vector.shape_cast %get3A_683 : vector<1x16xf32> to vector<16xf32>
      %mul3A_685 = arith.mulf %get3A_684, %broadcast_in_dim3A_676 : vector<16xf32>
      %swap3A_686 = arith.index_cast %add3A_680 : i32 to index
      %swap3A_687 = arith.constant 0 : index
      %swap3A_688 = tpu.vector_load %arg8[%swap3A_686, %swap3A_687] {strides = array<i32>} : memref<512x64xf32, #tpu.memory_space<vmem>>, vector<1x16xf32>,
      %swap3A_689 = vector.shape_cast %swap3A_688 : vector<1x16xf32> to vector<16xf32>
      %swap3A_690 = vector.shape_cast %mul3A_685 : vector<16xf32> to vector<1x16xf32>
      tpu.vector_store %arg8[%swap3A_686, %swap3A_687], %swap3A_690 {strides = array<i32>} : memref<512x64xf32, #tpu.memory_space<vmem>>, vector<1x16xf32>,
      %get3A_691 = arith.index_cast %add3A_680 : i32 to index
      %get3A_692 = arith.constant 16 : index
      %get3A_693 = tpu.vector_load %arg8[%get3A_691, %get3A_692] {strides = array<i32>} : memref<512x64xf32, #tpu.memory_space<vmem>>, vector<1x16xf32>,
      %get3A_694 = vector.shape_cast %get3A_693 : vector<1x16xf32> to vector<16xf32>
      %mul3A_695 = arith.mulf %get3A_694, %broadcast_in_dim3A_676 : vector<16xf32>
      %swap3A_696 = arith.index_cast %add3A_680 : i32 to index
      %swap3A_697 = arith.constant 16 : index
      %swap3A_698 = tpu.vector_load %arg8[%swap3A_696, %swap3A_697] {strides = array<i32>} : memref<512x64xf32, #tpu.memory_space<vmem>>, vector<1x16xf32>,
      %swap3A_699 = vector.shape_cast %swap3A_698 : vector<1x16xf32> to vector<16xf32>
      %swap3A_700 = vector.shape_cast %mul3A_695 : vector<16xf32> to vector<1x16xf32>
      tpu.vector_store %arg8[%swap3A_696, %swap3A_697], %swap3A_700 {strides = array<i32>} : memref<512x64xf32, #tpu.memory_space<vmem>>, vector<1x16xf32>,
      %get3A_701 = arith.index_cast %add3A_680 : i32 to index
      %get3A_702 = arith.constant 32 : index
      %get3A_703 = tpu.vector_load %arg8[%get3A_701, %get3A_702] {strides = array<i32>} : memref<512x64xf32, #tpu.memory_space<vmem>>, vector<1x16xf32>,
      %get3A_704 = vector.shape_cast %get3A_703 : vector<1x16xf32> to vector<16xf32>
      %mul3A_705 = arith.mulf %get3A_704, %broadcast_in_dim3A_676 : vector<16xf32>
      %swap3A_706 = arith.index_cast %add3A_680 : i32 to index
      %swap3A_707 = arith.constant 32 : index
      %swap3A_708 = tpu.vector_load %arg8[%swap3A_706, %swap3A_707] {strides = array<i32>} : memref<512x64xf32, #tpu.memory_space<vmem>>, vector<1x16xf32>,
      %swap3A_709 = vector.shape_cast %swap3A_708 : vector<1x16xf32> to vector<16xf32>
      %swap3A_710 = vector.shape_cast %mul3A_705 : vector<16xf32> to vector<1x16xf32>
      tpu.vector_store %arg8[%swap3A_706, %swap3A_707], %swap3A_710 {strides = array<i32>} : memref<512x64xf32, #tpu.memory_space<vmem>>, vector<1x16xf32>,
      %get3A_711 = arith.index_cast %add3A_680 : i32 to index
      %get3A_712 = arith.constant 48 : index
      %get3A_713 = tpu.vector_load %arg8[%get3A_711, %get3A_712] {strides = array<i32>} : memref<512x64xf32, #tpu.memory_space<vmem>>, vector<1x16xf32>,
      %get3A_714 = vector.shape_cast %get3A_713 : vector<1x16xf32> to vector<16xf32>
      %mul3A_715 = arith.mulf %get3A_714, %broadcast_in_dim3A_676 : vector<16xf32>
      %swap3A_716 = arith.index_cast %add3A_680 : i32 to index
      %swap3A_717 = arith.constant 48 : index
      %swap3A_718 = tpu.vector_load %arg8[%swap3A_716, %swap3A_717] {strides = array<i32>} : memref<512x64xf32, #tpu.memory_space<vmem>>, vector<1x16xf32>,
      %swap3A_719 = vector.shape_cast %swap3A_718 : vector<1x16xf32> to vector<16xf32>
      %swap3A_720 = vector.shape_cast %mul3A_715 : vector<16xf32> to vector<1x16xf32>
      tpu.vector_store %arg8[%swap3A_716, %swap3A_717], %swap3A_720 {strides = array<i32>} : memref<512x64xf32, #tpu.memory_space<vmem>>, vector<1x16xf32>,
      %slice3A_721 = vector.extract_strided_slice %get3A_19 {offsets = [15], sizes = [1], strides = [1]} : vector<16xf32> to vector<1xf32>
      %squeeze3A_722 = vector.extract %slice3A_721[0] : f32 from vector<1xf32>
      %broadcast_in_dim3A_723 = vector.broadcast %squeeze3A_722 : f32 to vector<16xf32>
      %mul3A_724 = arith.constant 16 : i32
      %mul3A_725 = arith.muli %scan3A_15, %mul3A_724 : i32
      %add3A_726 = arith.constant 15 : i32
      %add3A_727 = arith.addi %mul3A_725, %add3A_726 : i32
      %get3A_728 = arith.index_cast %add3A_727 : i32 to index
      %get3A_729 = arith.constant 0 : index
      %get3A_730 = tpu.vector_load %arg8[%get3A_728, %get3A_729] {strides = array<i32>} : memref<512x64xf32, #tpu.memory_space<vmem>>, vector<1x16xf32>,
      %get3A_731 = vector.shape_cast %get3A_730 : vector<1x16xf32> to vector<16xf32>
      %mul3A_732 = arith.mulf %get3A_731, %broadcast_in_dim3A_723 : vector<16xf32>
      %swap3A_733 = arith.index_cast %add3A_727 : i32 to index
      %swap3A_734 = arith.constant 0 : index
      %swap3A_735 = tpu.vector_load %arg8[%swap3A_733, %swap3A_734] {strides = array<i32>} : memref<512x64xf32, #tpu.memory_space<vmem>>, vector<1x16xf32>,
      %swap3A_736 = vector.shape_cast %swap3A_735 : vector<1x16xf32> to vector<16xf32>
      %swap3A_737 = vector.shape_cast %mul3A_732 : vector<16xf32> to vector<1x16xf32>
      tpu.vector_store %arg8[%swap3A_733, %swap3A_734], %swap3A_737 {strides = array<i32>} : memref<512x64xf32, #tpu.memory_space<vmem>>, vector<1x16xf32>,
      %get3A_738 = arith.index_cast %add3A_727 : i32 to index
      %get3A_739 = arith.constant 16 : index
      %get3A_740 = tpu.vector_load %arg8[%get3A_738, %get3A_739] {strides = array<i32>} : memref<512x64xf32, #tpu.memory_space<vmem>>, vector<1x16xf32>,
      %get3A_741 = vector.shape_cast %get3A_740 : vector<1x16xf32> to vector<16xf32>
      %mul3A_742 = arith.mulf %get3A_741, %broadcast_in_dim3A_723 : vector<16xf32>
      %swap3A_743 = arith.index_cast %add3A_727 : i32 to index
      %swap3A_744 = arith.constant 16 : index
      %swap3A_745 = tpu.vector_load %arg8[%swap3A_743, %swap3A_744] {strides = array<i32>} : memref<512x64xf32, #tpu.memory_space<vmem>>, vector<1x16xf32>,
      %swap3A_746 = vector.shape_cast %swap3A_745 : vector<1x16xf32> to vector<16xf32>
      %swap3A_747 = vector.shape_cast %mul3A_742 : vector<16xf32> to vector<1x16xf32>
      tpu.vector_store %arg8[%swap3A_743, %swap3A_744], %swap3A_747 {strides = array<i32>} : memref<512x64xf32, #tpu.memory_space<vmem>>, vector<1x16xf32>,
      %get3A_748 = arith.index_cast %add3A_727 : i32 to index
      %get3A_749 = arith.constant 32 : index
      %get3A_750 = tpu.vector_load %arg8[%get3A_748, %get3A_749] {strides = array<i32>} : memref<512x64xf32, #tpu.memory_space<vmem>>, vector<1x16xf32>,
      %get3A_751 = vector.shape_cast %get3A_750 : vector<1x16xf32> to vector<16xf32>
      %mul3A_752 = arith.mulf %get3A_751, %broadcast_in_dim3A_723 : vector<16xf32>
      %swap3A_753 = arith.index_cast %add3A_727 : i32 to index
      %swap3A_754 = arith.constant 32 : index
      %swap3A_755 = tpu.vector_load %arg8[%swap3A_753, %swap3A_754] {strides = array<i32>} : memref<512x64xf32, #tpu.memory_space<vmem>>, vector<1x16xf32>,
      %swap3A_756 = vector.shape_cast %swap3A_755 : vector<1x16xf32> to vector<16xf32>
      %swap3A_757 = vector.shape_cast %mul3A_752 : vector<16xf32> to vector<1x16xf32>
      tpu.vector_store %arg8[%swap3A_753, %swap3A_754], %swap3A_757 {strides = array<i32>} : memref<512x64xf32, #tpu.memory_space<vmem>>, vector<1x16xf32>,
      %get3A_758 = arith.index_cast %add3A_727 : i32 to index
      %get3A_759 = arith.constant 48 : index
      %get3A_760 = tpu.vector_load %arg8[%get3A_758, %get3A_759] {strides = array<i32>} : memref<512x64xf32, #tpu.memory_space<vmem>>, vector<1x16xf32>,
      %get3A_761 = vector.shape_cast %get3A_760 : vector<1x16xf32> to vector<16xf32>
      %mul3A_762 = arith.mulf %get3A_761, %broadcast_in_dim3A_723 : vector<16xf32>
      %swap3A_763 = arith.index_cast %add3A_727 : i32 to index
      %swap3A_764 = arith.constant 48 : index
      %swap3A_765 = tpu.vector_load %arg8[%swap3A_763, %swap3A_764] {strides = array<i32>} : memref<512x64xf32, #tpu.memory_space<vmem>>, vector<1x16xf32>,
      %swap3A_766 = vector.shape_cast %swap3A_765 : vector<1x16xf32> to vector<16xf32>
      %swap3A_767 = vector.shape_cast %mul3A_762 : vector<16xf32> to vector<1x16xf32>
      tpu.vector_store %arg8[%swap3A_763, %swap3A_764], %swap3A_767 {strides = array<i32>} : memref<512x64xf32, #tpu.memory_space<vmem>>, vector<1x16xf32>,
    }
    %scan3A_14 = arith.constant 32 : i32
    "tpu.region"() ({
      %run_scoped3A = tpu.sem_alloc : memref<!tpu.dma_semaphore, #tpu.memory_space<semaphore_mem>>
      %dma_start3A = arith.constant 0 : i32
      %dma_start3A_15 = tpu.memref_slice %arg5[%mul3A_2, %dma_start3A] : memref<16384x64xf32, #tpu.memory_space<hbm>> -> memref<512x64xf32, #tpu.memory_space<hbm>>
      %dma_start3A_16 = arith.constant 0 : i32
      %dma_start3A_17 = tpu.memref_slice %arg5[%mul3A_2, %dma_start3A_16] : memref<16384x64xf32, #tpu.memory_space<hbm>> -> memref<512x64xf32, #tpu.memory_space<hbm>>
      tpu.enqueue_dma source(%arg8 : memref<512x64xf32, #tpu.memory_space<vmem>>) target(%dma_start3A_17 : memref<512x64xf32, #tpu.memory_space<hbm>>) target_semaphore(%run_scoped3A : memref<!tpu.dma_semaphore, #tpu.memory_space<semaphore_mem>>)
      %dma_wait3A_18 = arith.constant 0 : i32
      %dma_wait3A_19 = tpu.memref_slice %arg5[%mul3A_2, %dma_wait3A_18] : memref<16384x64xf32, #tpu.memory_space<hbm>> -> memref<512x64xf32, #tpu.memory_space<hbm>>
      %dma_wait3A_20 = arith.constant 0 : i32
      %dma_wait3A_21 = tpu.memref_slice %arg5[%mul3A_2, %dma_wait3A_20] : memref<16384x64xf32, #tpu.memory_space<hbm>> -> memref<512x64xf32, #tpu.memory_space<hbm>>
      tpu.wait_dma2 semaphore(%run_scoped3A : memref<!tpu.dma_semaphore, #tpu.memory_space<semaphore_mem>>) src(%arg8 : memref<512x64xf32, #tpu.memory_space<vmem>>) dst(%dma_wait3A_21 : memref<512x64xf32, #tpu.memory_space<hbm>>)
      tpu.yield
    }) : () -> ()
    return
  }
}

</mosaic_0001>

<sc_bundles>
// kernel: kernel.3.cloned.1.call-start
scs
__scs_entry_jumppad:
0x0: {  	(pc) =	sbr.rel $0x88, $3  }
0x1: {  	(tag) =	ssettag $0x0;
	lr =	simm.s32 $0x1  }
0x2: {  	[smem:$0x3F9E] =	sst lr;
	_ =	strace $0xD0000000  }
0x3: {  	_ = 	snop  }
0x4: {  	_ = 	snop  }
0x5: {  	_ = 	snop  }
0x6: {  	_ = 	snop  }
0x7: {  	_ = 	snop  }
__scs_overlays_trampoline_lowered:
0x8: {  	[smem:$0x3FAD] =	sst s0  }
0x9: {  	[smem:$0x3FAE] =	sst s1  }
0xa: {  	[smem:$0x3FAF] =	sst s2  }
0xb: {  	[smem:$0x3FB0] =	sst s3  }
0xc: {  	[smem:$0x3FB1] =	sst s4  }
0xd: {  	[smem:$0x3FB2] =	sst s5  }
0xe: {  	[smem:$0x3FB3] =	sst s6  }
0xf: {  	[smem:$0x3FB4] =	sst s7  }
0x10: {  	[smem:$0x3FB5] =	sst s8  }
0x11: {  	[smem:$0x3FB6] =	sst s9;
	s0 =	simm.s32 @!p0 $0x0  }
0x12: {  	s1 =	sld [smem:$0x3F9C];
	s0 =	simm.s32 @p0 $0x1  }
0x13: {  	[smem:$0x3FB7] =	sst s0;
	s0 =	simm.s32 @!p1 $0x0  }
0x14: {  	s2 =	sld [smem:$0x3F9B];
	s0 =	simm.s32 @p1 $0x1  }
0x15: {  	[smem:$0x3FB8] =	sst s0;
	s0 =	simm.s32 @!p2 $0x0  }
0x16: {  	s3 =	sld [smem:$0x3FDB];
	s0 =	simm.s32 @p2 $0x1  }
0x17: {  	s4 =	simm.s32 $0x1BF5;
	[smem:$0x3FBA] =	sst s0  }
0x18: {  	s0 =	sld [smem:$0x3F9D];
	_ =	swait.ge [sflag:s4], $0x0  }
0x19: {  	s7 =	sld [smem:$0x3F9E]  }
0x1a: {  	s8 =	sadd.s32 $0xFFFFE003, lr  }
0x1b: {  	s9 =	sadd.s32 $0xFFFFFEF7, lr;
	s5 =	simm.s32 $0xFFFFFFFF;
	p2 =	slt.u32 s8, $0xFFFFF086  }
0x1c: {  	p1 =	slt.u32 s9, $0xF7A;
	s5 =	simm.s32 @!p2 $0x0  }
0x1d: {  	s5 =	simm.s32 @p1 $0x1;
	p0 =	seq.s32 s7, s2  }
0x1e: {  	s7 =	smul.u32 @!p0 $0xF7A, s2;
	p2 =	seq.s32 @!p0 s5, $0x0  }
0x1f: {  	s9 =	smul.u32 $0xF7A, s1;
	s8 =	simm.s32 @!p0 $0x1BF5;
	p2 =	por !p2, p0  }
0x20: {  	[sflag:s8] =	ssyncset.s32 @!p0 $0xFFFFF086;
	s6 =	sadd.s32 @!p0 s3, s7;
	s7 =	simm.s32 @!p0 $0x108  }
0x21: {  	s3 =	sadd.s32 s3, s9;
	s6 =	sadd.s32 @!p0 $0x88, s6;
	s7 =	simm.s32 @p2 $0x1082  }
0x22: {  	[simem:s7], [sflag:s8] =	dma.local @!p0 [hbm:s6], $0xF7A  }
0x23: {  	s9 =	sor.u32 $0xD0000000, s2;
	s6 =	simm.s32 $0x108;
	_ =	swait.ge @!p0 [sflag:s8], $0x0  }
0x24: {  	s3 =	sadd.s32 $0x88, s3;
	s6 =	simm.s32 @!p1 $0x1082;
	[sflag:s4] =	ssyncset.s32 $0xFFFFF086  }
0x25: {  	[simem:s6], [sflag:s4] =	dma.local [hbm:s3], $0xF7A  }
0x26: {  	[smem:$0x3F9E] =	sst s1;
	(tag) =	ssettag s2;
	_ =	strace s9  }
0x27: {  	s1 =	sld [smem:$0x3FAE]  }
0x28: {  	s2 =	sld [smem:$0x3FAF]  }
0x29: {  	s4 =	sld [smem:$0x3FB1]  }
0x2a: {  	p0 =	seq.s32 s5, $0x0;
	s5 =	sld [smem:$0x3FB2]  }
0x2b: {  	s6 =	sld [smem:$0x3FB3]  }
0x2c: {  	s7 =	sld [smem:$0x3FB4]  }
0x2d: {  	s3 =	simm.s32 $0x108;
	s8 =	sld [smem:$0x3FB5]  }
0x2e: {  	s3 =	simm.s32 @!p0 $0x1082;
	s9 =	sld [smem:$0x3FB6]  }
0x2f: {  	lr =	sadd.s32 s0, s3;
	s0 =	sld [smem:$0x3FAD]  }
0x30: {  	s3 =	sld [smem:$0x3FB0]  }
0x31: {  	[smem:$0x3FB9] =	sst s10  }
0x32: {  	s10 =	sld [smem:$0x3FB7];
	_ =	sdelay $0x3  }
0x33: {  	p0 =	seq.s32 s10, $0x1;
	s10 =	sld [smem:$0x3FB9];
	_ =	sdelay $0x3  }
0x34: {  	[smem:$0x3FB9] =	sst s10  }
0x35: {  	s10 =	sld [smem:$0x3FB8];
	_ =	sdelay $0x3  }
0x36: {  	p1 =	seq.s32 s10, $0x1;
	s10 =	sld [smem:$0x3FB9];
	_ =	sdelay $0x3  }
0x37: {  	[smem:$0x3FB9] =	sst s10  }
0x38: {  	s10 =	sld [smem:$0x3FBA]  }
0x39: {  	_ = 	snop;
	(pc) =	sbr.ind lr, $3  }
0x3a: {  	_ = 	snop  }
0x3b: {  	_ = 	snop  }
0x3c: {  	p2 =	seq.s32 s10, $0x1;
	s10 =	sld [smem:$0x3FB9]  }
0x3d: {  	_ =	shalt  }
0x3e: {  	_ =	shalt  }
0x3f: {  	_ =	shalt  }
0x40: {  	_ =	shalt  }
0x41: {  	_ =	shalt  }
0x42: {  	_ =	shalt  }
0x43: {  	_ =	shalt  }
0x44: {  	_ =	shalt  }
0x45: {  	_ =	shalt  }
0x46: {  	_ =	shalt  }
0x47: {  	_ =	shalt  }
0x48: {  	_ =	shalt  }
0x49: {  	_ =	shalt  }
0x4a: {  	_ =	shalt  }
0x4b: {  	_ =	shalt  }
0x4c: {  	_ =	shalt  }
0x4d: {  	_ =	shalt  }
0x4e: {  	_ =	shalt  }
0x4f: {  	_ =	shalt  }
0x50: {  	_ =	shalt  }
0x51: {  	_ =	shalt  }
0x52: {  	_ =	shalt  }
0x53: {  	_ =	shalt  }
0x54: {  	_ =	shalt  }
0x55: {  	_ =	shalt  }
0x56: {  	_ =	shalt  }
0x57: {  	_ =	shalt  }
0x58: {  	_ =	shalt  }
0x59: {  	_ =	shalt  }
0x5a: {  	_ =	shalt  }
0x5b: {  	_ =	shalt  }
0x5c: {  	_ =	shalt  }
0x5d: {  	_ =	shalt  }
0x5e: {  	_ =	shalt  }
0x5f: {  	_ =	shalt  }
0x60: {  	_ =	shalt  }
0x61: {  	_ =	shalt  }
0x62: {  	_ =	shalt  }
0x63: {  	_ =	shalt  }
0x64: {  	_ =	shalt  }
0x65: {  	_ =	shalt  }
0x66: {  	_ =	shalt  }
0x67: {  	_ =	shalt  }
0x68: {  	_ =	shalt  }
0x69: {  	_ =	shalt  }
0x6a: {  	_ =	shalt  }
0x6b: {  	_ =	shalt  }
0x6c: {  	_ =	shalt  }
0x6d: {  	_ =	shalt  }
0x6e: {  	_ =	shalt  }
0x6f: {  	_ =	shalt  }
0x70: {  	_ =	shalt  }
0x71: {  	_ =	shalt  }
0x72: {  	_ =	shalt  }
0x73: {  	_ =	shalt  }
0x74: {  	_ =	shalt  }
0x75: {  	_ =	shalt  }
0x76: {  	_ =	shalt  }
0x77: {  	_ =	shalt  }
0x78: {  	_ =	shalt  }
0x79: {  	_ =	shalt  }
0x7a: {  	_ =	shalt  }
0x7b: {  	_ =	shalt  }
0x7c: {  	_ =	shalt  }
0x7d: {  	_ =	shalt  }
0x7e: {  	_ =	shalt  }
0x7f: {  	_ =	shalt  }
0x80: {  	_ =	shalt  }
0x81: {  	_ =	shalt  }
0x82: {  	_ =	shalt  }
0x83: {  	_ =	shalt  }
0x84: {  	_ =	shalt  }
0x85: {  	_ =	shalt  }
0x86: {  	_ =	shalt  }
0x87: {  	_ =	shalt  }
.Lfunc_end0:
.L_simem_size_0:
called_computation_lowered:
.L_overlay_start_0:
0x88: {  	s2 =	sld [smem:$0x3FD9]  }
0x89: {  	s3 =	sld [smem:$0x3FFE];
	_ =	sdelay $0x1  }
0x8a: {  	s1 =	srdreg.scid  }
0x8b: {  	s0 =	sand.u32 $0x1, s1  }
0x8c: {  	s17 =	sshll.u32 s0, $0xA;
	s2 =	sadd.s32 s3, s2  }
0x8d: {  	s2 =	sadd.s32 s2, s17  }
0x8e: {  	[smem:$0x3FC5] =	sst s2  }
0x8f: {  	_ = 	snop  }
0x90: {  	s2 =	sld [smem:$0x3FC9]  }
0x91: {  	s18 =	sld [smem:$0x3FC8];
	(tm) =	ssettm $0x1  }
0x92: {  	s4 =	sld [smem:$0x3FFB];
	_ =	sdelay $0x3  }
0x93: {  	_ =	strace s4  }
0x94: {  	s4 =	sld [smem:$0x3FFC];
	_ =	sdelay $0x3  }
0x95: {  	_ =	strace s4  }
0x96: {  	s4 =	sld [smem:$0x3FFD];
	_ =	sdelay $0x3  }
0x97: {  	_ =	strace s4  }
0x98: {  	_ =	strace $0x8FFFFFFF  }
0x99: {  	s19 =	sld [smem:$0x3FDB];
	_ =	sdelay $0x1  }
0x9a: {  	s5 =	simm.s32 $_scs_section_size  }
0x9b: {  	s6 =	simm.s32 $_size__tile_overlayer_lowered;
	s7 =	simm.s32 $_tile_overlayer_lowered  }
0x9c: {  	s22 =	simm.s32 $0x1BFF;
	s21 =	sshll.u32 s7, $0x1;
	s4 =	sadd.s32 s5, s19  }
0x9d: {  	s8 =	simm.s32 $0x0;
	s20 =	sshll.u32 s6, $0x1;
	s6 =	sadd.s32 s21, s4  }
0x9e: {  	[timem:s8], [sflag:s22] =	dma.local [hbm:s6], s20  }
0x9f: {  	_ =	swait.ge [sflag:s22], s20  }
0xa0: {  	s5 =	ssub.s32 $0x0, s20;
	[sflag:s22] =	ssyncset.done $0x0  }
0xa1: {  	[sflag:s22] =	ssyncadd.s32 s5;
	_ =	sdelay $0x1  }
0xa2: {  	s23 =	simm.s32 $0x1B8B  }
0xa3: {  	_ =	swait.ge [sflag:s23], $0x1  }
0xa4: {  	[sflag:s23] =	ssyncset.done $0x0  }
0xa5: {  	s25 =	simm.s32 $0x1B8E;
	s24 =	sld [smem:$0x3FFE];
	[sflag:s23] =	ssyncadd.s32 $0xFFFFFFFF  }
0xa6: {  	s26 =	simm.s32 $execute0_lowered;
	[smem:$0x3FD2] =	sst s25  }
0xa7: {  	s6 =	sshll.u32 s26, $0x1;
	_ =	strace $0x80000046;
	[dreg:$0x1] =	wrdreg $0xFFFFFFFF  }
0xa8: {  	s28 =	simm.s32 $_size_execute0_lowered;
	s4 =	sadd.s32 s4, s6;
	[dreg:$0x0] =	wrdreg $0x0  }
0xa9: {  	s6 =	sshll.u32 s28, $0x1;
	[dreg:$0x2] =	wrdreg s4  }
0xaa: {  	[dreg:$0x3] =	wrdreg s6  }
0xab: {  	[dreg:$0x4] =	wrdreg $0xC0  }
0xac: {  	_ =	task [dreg:s8], $0x5FFFF  }
0xad: {  	[dreg:$0x1] =	wrdreg $0xFFFFFFFF  }
0xae: {  	[dreg:$0x0] =	wrdreg $0x60  }
0xaf: {  	[dreg:$0x2] =	wrdreg s2  }
0xb0: {  	[dreg:$0x3] =	wrdreg s18  }
0xb1: {  	[dreg:$0x4] =	wrdreg s24  }
0xb2: {  	[dreg:$0x5] =	wrdreg $0x9  }
0xb3: {  	_ =	task.clear_ibuf [dreg:s8], $0x6FFFF;
	_ =	strace $0x90000046  }
0xb4: {  	s29 =	simm.s32 $0x9;
	_ =	strace $0x80000048  }
0xb5: {  	_ =	swait.ge [sflag:s29], $0x1  }
0xb6: {  	[sflag:s29] =	ssyncadd.s32 $0xFFFFFFFF  }
0xb7: {  	_ =	strace $0x90000048  }
0xb8: {  	_ =	sfence  }
0xb9: {  	s30 =	sld [smem:$0x0];
	_ =	sdelay $0x2  }
0xba: {  	s31 =	sshll.u32 s1, $0xD;
	s1 =	sshrl.u32 s1, $0x2  }
0xbb: {  	s3 =	sand.u32 $0x4000, s31;
	s1 =	sadd.s32 s1, s30  }
0xbc: {  	s0 =	sor.u32 s3, s0;
	s1 =	sshll.u32 s1, $0x11  }
0xbd: {  	s0 =	sor.u32 s1, s0  }
0xbe: {  	s0 =	sadd.s32 $0x8F2B, s0  }
0xbf: {  	[sflag:s0] =	ssyncadd.remote.s32 $0x1  }
0xc0: {  	_ =	sfence.sel $0xFFFF  }
0xc1: {  	[dreg:$0x0] =	wrdreg $0xFFFFFFFF;
	(pc) =	sbr.abs _section_cstart, $3  }
0xc2: {  	[dreg:$0x1] =	wrdreg $0xFFFFFFFF  }
0xc3: {  	_ =	task.clear_ibuf [dreg:s8], $0x2FFFF;
	_ =	strace $0x9FFFFFFF  }
0xc4: {  	(tm) =	ssettm $0x7FFFFFFF  }
0xc5: {  	_ =	shalt  }
tec
execute0_lowered:
.L_overlay_start_1:
0x0: {  	(tag) =	ssettag $0x1  }
0x1: {  	s5 =	rddreg [dreg:$0x0]  }
0x2: {  	s4 =	rddreg [dreg:$0x1]  }
0x3: {  	s6 =	rddreg [dreg:$0x2]  }
0x4: {  	s0 =	rddreg [dreg:$0x3];
	s3 =	srdreg.scid  }
0x5: {  	s2 =	simm.s32 $0x0;
	s1 =	stileid.u32;
	s11 =	simm.s32 $0x400  }
0x6: {  	s12 =	simm.s32 $0x0;
	s3 =	sand.u32 $0x1, s3;
	[smem:$0x7FF] =	sst s2  }
0x7: {  	s7 =	sshll.u32 s1, $0xA;
	s8 =	sshll.u32 s3, $0x9;
	s31 =	ssub.s32 $0x2, s3  }
0x8: {  	_ =	strace $0x80000047;
	s7 =	sor.u32 s8, s7;
	s10 =	sshrl.u32 s31, $0x1  }
0x9: {  	s3 =	sadd.s32 $0x400, s6;
	s9 =	sshll.u32 s7, $0x4;
	s8 =	ssub.s32 s31, s10  }
0xa: {  	s7 =	sshrl.u32 s7, $0x3;
	s10 =	simm.s32 $0x1;
	s6 =	sadd.s32 s9, s6  }
0xb: {  	s4 =	sadd.s32 s4, s7;
	s5 =	sadd.s32 s5, s7;
	s7 =	smax.u32 s8, $0x1  }
0xc: {  	s8 =	simm.s32 $0x2;
	s9 =	simm.s32 $0x200;
	s6 =	sadd.s32 $0xF42800, s6  }
.LBB2_1:
0xd: {  	[tilespmem:s2], [sflag:$0x2] =	stream.linear.gather [hbm4b:s4+s2], $0x200, $0x38;
	[tilespmem:$0x10400] =	vst v63  }
0xe: {  	_ =	swait.ge [sflag:s8], $0x200  }
0xf: {  	[sflag:s8] =	ssyncset.done $0x0  }
0x10: {  	[sflag:s8] =	ssyncadd.s32 $0xFFFFFE00  }
0x11: {  	[tilespmem:s9], [sflag:$0x2] =	stream.linear.gather [hbm4b:s5+s2], $0x200, $0x38;
	[tilespmem:$0x10400] =	vst v63  }
0x12: {  	_ =	swait.ge [sflag:s8], $0x200  }
0x13: {  	[sflag:s8] =	ssyncset.done $0x0  }
0x14: {  	s13 =	simm.s32 $0x0;
	s14 =	simm.s32 $0x0;
	[sflag:s8] =	ssyncadd.s32 $0xFFFFFE00  }
.LBB2_2:
0x15: {  	v0 =	vld [tilespmem:s13+$0x0];
	_ =	sdelay $0x4  }
0x16: {  	v1 =	vshrl.u32 v0, $0x3  }
0x17: {  	v0 =	vand.u32 $0x7, v0;
	v1 =	vshll.u32 v1, $0xA  }
0x18: {  	v0 =	vshll.u32 v0, $0x7;
	(v2sf) =	vpush v1, $0x0  }
0x19: {  	(v2sf) =	vpush v0, $0x0;
	_ =	sdelay $0x2  }
0x1a: {  	(v2sf) =	vpush v1, $0x1  }
0x1b: {  	(v2sf) =	vpush v0, $0x1;
	_ =	sdelay $0x2  }
0x1c: {  	(v2sf) =	vpush v1, $0x2  }
0x1d: {  	(v2sf) =	vpush v0, $0x2;
	_ =	sdelay $0x5  }
0x1e: {  	s15 =	spop (v2sf);
	(v2sf) =	vpush v1, $0x3  }
0x1f: {  	s16 =	spop (v2sf);
	(v2sf) =	vpush v0, $0x3;
	_ =	sdelay $0x2  }
0x20: {  	s16 =	sor.u32 s16, s15;
	s29 =	spop (v2sf);
	(v2sf) =	vpush v1, $0x4  }
0x21: {  	s15 =	sshra.s32 s14, $0x2;
	s16 =	sshrl.u32 s16, $0x3;
	s30 =	spop (v2sf);
	(v2sf) =	vpush v0, $0x4  }
0x22: {  	s17 =	sadd.s32 $0x400, s15;
	s16 =	sadd.s32 s3, s16  }
0x23: {  	[tilespmem:s17], [sflag:$0x1] =	stream.linear.gather [hbm4b:s16+s2], $0x80, $0x38;
	[tilespmem:$0x10400] =	vst v63  }
0x24: {  	s17 =	spop (v2sf);
	(v2sf) =	vpush v1, $0x5  }
0x25: {  	s18 =	spop (v2sf);
	(v2sf) =	vpush v0, $0x5;
	_ =	sdelay $0x5  }
0x26: {  	s16 =	sor.u32 s30, s29;
	s20 =	spop (v2sf);
	(v2sf) =	vpush v1, $0x6  }
0x27: {  	s16 =	sshrl.u32 s16, $0x3;
	s21 =	spop (v2sf);
	(v2sf) =	vpush v0, $0x6  }
0x28: {  	s31 =	sadd.s32 $0x480, s15;
	s16 =	sadd.s32 s3, s16  }
0x29: {  	[tilespmem:s31], [sflag:$0x1] =	stream.linear.gather [hbm4b:s16+s2], $0x80, $0x38;
	[tilespmem:$0x10400] =	vst v63  }
0x2a: {  	s16 =	sor.u32 s18, s17;
	s23 =	spop (v2sf);
	(v2sf) =	vpush v1, $0x7  }
0x2b: {  	s16 =	sshrl.u32 s16, $0x3;
	s24 =	spop (v2sf);
	(v2sf) =	vpush v0, $0x7  }
0x2c: {  	s19 =	sadd.s32 $0x500, s15;
	s16 =	sadd.s32 s3, s16  }
0x2d: {  	[tilespmem:s19], [sflag:$0x1] =	stream.linear.gather [hbm4b:s16+s2], $0x80, $0x38;
	[tilespmem:$0x10400] =	vst v63  }
0x2e: {  	s26 =	spop (v2sf);
	(v2sf) =	vpush v1, $0x8  }
0x2f: {  	s28 =	spop (v2sf);
	(v2sf) =	vpush v0, $0x8  }
0x30: {  	s16 =	sor.u32 s21, s20  }
0x31: {  	s16 =	sshrl.u32 s16, $0x3  }
0x32: {  	s22 =	sadd.s32 $0x580, s15;
	s16 =	sadd.s32 s3, s16  }
0x33: {  	[tilespmem:s22], [sflag:$0x1] =	stream.linear.gather [hbm4b:s16+s2], $0x80, $0x38;
	[tilespmem:$0x10400] =	vst v63  }
0x34: {  	s16 =	sor.u32 s24, s23  }
0x35: {  	s16 =	sshrl.u32 s16, $0x3;
	s30 =	spop (v2sf);
	(v2sf) =	vpush v1, $0x9  }
0x36: {  	s25 =	sadd.s32 $0x600, s15;
	s16 =	sadd.s32 s3, s16;
	s31 =	spop (v2sf);
	(v2sf) =	vpush v0, $0x9  }
0x37: {  	[tilespmem:s25], [sflag:$0x1] =	stream.linear.gather [hbm4b:s16+s2], $0x80, $0x38;
	[tilespmem:$0x10400] =	vst v63  }
0x38: {  	s16 =	sor.u32 s28, s26  }
0x39: {  	s16 =	sshrl.u32 s16, $0x3;
	s19 =	spop (v2sf);
	(v2sf) =	vpush v1, $0xA  }
0x3a: {  	s29 =	sadd.s32 $0x680, s15;
	s16 =	sadd.s32 s3, s16;
	s20 =	spop (v2sf);
	(v2sf) =	vpush v0, $0xA  }
0x3b: {  	[tilespmem:s29], [sflag:$0x1] =	stream.linear.gather [hbm4b:s16+s2], $0x80, $0x38;
	[tilespmem:$0x10400] =	vst v63  }
0x3c: {  	s16 =	sor.u32 s31, s30  }
0x3d: {  	s16 =	sshrl.u32 s16, $0x3;
	s22 =	spop (v2sf);
	(v2sf) =	vpush v1, $0xB  }
0x3e: {  	s18 =	sadd.s32 $0x700, s15;
	s16 =	sadd.s32 s3, s16;
	s23 =	spop (v2sf);
	(v2sf) =	vpush v0, $0xB  }
0x3f: {  	[tilespmem:s18], [sflag:$0x1] =	stream.linear.gather [hbm4b:s16+s2], $0x80, $0x38;
	[tilespmem:$0x10400] =	vst v63  }
0x40: {  	s16 =	sor.u32 s20, s19  }
0x41: {  	s16 =	sshrl.u32 s16, $0x3  }
0x42: {  	s21 =	sadd.s32 $0x780, s15;
	s16 =	sadd.s32 s3, s16  }
0x43: {  	[tilespmem:s21], [sflag:$0x1] =	stream.linear.gather [hbm4b:s16+s2], $0x80, $0x38;
	[tilespmem:$0x10400] =	vst v63  }
0x44: {  	s16 =	sor.u32 s23, s22;
	s25 =	spop (v2sf);
	(v2sf) =	vpush v1, $0xC  }
0x45: {  	s16 =	sshrl.u32 s16, $0x3;
	s26 =	spop (v2sf);
	(v2sf) =	vpush v0, $0xC  }
0x46: {  	s24 =	sadd.s32 $0x800, s15;
	s16 =	sadd.s32 s3, s16  }
0x47: {  	[tilespmem:s24], [sflag:$0x1] =	stream.linear.gather [hbm4b:s16+s2], $0x80, $0x38;
	[tilespmem:$0x10400] =	vst v63  }
0x48: {  	s16 =	sor.u32 s26, s25;
	s29 =	spop (v2sf);
	(v2sf) =	vpush v1, $0xD  }
0x49: {  	s16 =	sshrl.u32 s16, $0x3;
	s30 =	spop (v2sf);
	(v2sf) =	vpush v0, $0xD  }
0x4a: {  	s28 =	sadd.s32 $0x880, s15;
	s16 =	sadd.s32 s3, s16  }
0x4b: {  	[tilespmem:s28], [sflag:$0x1] =	stream.linear.gather [hbm4b:s16+s2], $0x80, $0x38;
	[tilespmem:$0x10400] =	vst v63  }
0x4c: {  	s17 =	spop (v2sf);
	(v2sf) =	vpush v1, $0xE  }
0x4d: {  	s18 =	spop (v2sf);
	(v2sf) =	vpush v0, $0xE  }
0x4e: {  	s16 =	sor.u32 s30, s29  }
0x4f: {  	s16 =	sshrl.u32 s16, $0x3  }
0x50: {  	s31 =	sadd.s32 $0x900, s15;
	s16 =	sadd.s32 s3, s16  }
0x51: {  	[tilespmem:s31], [sflag:$0x1] =	stream.linear.gather [hbm4b:s16+s2], $0x80, $0x38;
	[tilespmem:$0x10400] =	vst v63  }
0x52: {  	s16 =	sor.u32 s18, s17  }
0x53: {  	s16 =	sshrl.u32 s16, $0x3;
	s20 =	spop (v2sf);
	(v2sf) =	vpush v1, $0xF  }
0x54: {  	s19 =	sadd.s32 $0x980, s15;
	s16 =	sadd.s32 s3, s16;
	s21 =	spop (v2sf);
	(v2sf) =	vpush v0, $0xF  }
0x55: {  	[tilespmem:s19], [sflag:$0x1] =	stream.linear.gather [hbm4b:s16+s2], $0x80, $0x38;
	[tilespmem:$0x10400] =	vst v63  }
0x56: {  	s16 =	sor.u32 s21, s20  }
0x57: {  	s23 =	spop (v2sf);
	s16 =	sshrl.u32 s16, $0x3  }
0x58: {  	s22 =	sadd.s32 $0xA00, s15;
	s24 =	spop (v2sf);
	s16 =	sadd.s32 s3, s16  }
0x59: {  	[tilespmem:s22], [sflag:$0x1] =	stream.linear.gather [hbm4b:s16+s2], $0x80, $0x38;
	[tilespmem:$0x10400] =	vst v63  }
0x5a: {  	s16 =	sor.u32 s24, s23  }
0x5b: {  	s26 =	spop (v2sf);
	s16 =	sshrl.u32 s16, $0x3  }
0x5c: {  	s25 =	sadd.s32 $0xA80, s15;
	s28 =	spop (v2sf);
	s16 =	sadd.s32 s3, s16  }
0x5d: {  	[tilespmem:s25], [sflag:$0x1] =	stream.linear.gather [hbm4b:s16+s2], $0x80, $0x38;
	[tilespmem:$0x10400] =	vst v63  }
0x5e: {  	s16 =	sor.u32 s28, s26  }
0x5f: {  	s16 =	sshrl.u32 s16, $0x3  }
0x60: {  	s29 =	sadd.s32 $0xB00, s15;
	s16 =	sadd.s32 s3, s16  }
0x61: {  	[tilespmem:s29], [sflag:$0x1] =	stream.linear.gather [hbm4b:s16+s2], $0x80, $0x38;
	[tilespmem:$0x10400] =	vst v63  }
0x62: {  	p0 =	sne.s32 s14, $0x3E000;
	s30 =	spop (v2sf)  }
.Ltmp0:
0x63: {  	s31 =	spop (v2sf);
	(pc) =	sbr.rel @p0 .LBB2_2-.Ltmp0, $4  }
0x64: {  	s16 =	sor.u32 s31, s30  }
0x65: {  	s13 =	sadd.s32 $0x10, s13;
	s16 =	sshrl.u32 s16, $0x3  }
0x66: {  	s14 =	sadd.s32 $0x2000, s14;
	s15 =	sadd.s32 $0xB80, s15;
	s16 =	sadd.s32 s3, s16  }
0x67: {  	[tilespmem:s15], [sflag:$0x1] =	stream.linear.gather [hbm4b:s16+s2], $0x80, $0x38;
	[tilespmem:$0x10400] =	vst v63  }
0x68: {  	_ =	swait.ge [sflag:s10], $0x10000  }
0x69: {  	[sflag:s10] =	ssyncset.done $0x0  }
0x6a: {  	s13 =	simm.s32 $0x0;
	s14 =	simm.s32 $0x800;
	[sflag:s10] =	ssyncadd.s32 $0xFFFF0000  }
.LBB2_4:
0x6b: {  	s15 =	sshra.s32 s13, $0x2  }
0x6c: {  	v0 =	vld [tilespmem:s15+$0x200];
	_ =	sdelay $0x1  }
0x6d: {  	v1 =	vld [tilespmem:s14+$0xFFFFFC00]  }
0x6e: {  	v2 =	vld [tilespmem:s14+$0xFFFFFC80]  }
0x6f: {  	v3 =	vld [tilespmem:s14+$0xFFFFFD00]  }
0x70: {  	v5 =	vld [tilespmem:s14+$0xFFFFFD80];
	v4 =	vbroadcast v0, $0x0  }
0x71: {  	v7 =	vld [tilespmem:s14+$0xFFFFFE00];
	v6 =	vbroadcast v0, $0x1  }
0x72: {  	v9 =	vld [tilespmem:s14+$0xFFFFFE80];
	v8 =	vbroadcast v0, $0x2;
	v1 =	vmul.f32 v4, v1  }
0x73: {  	v11 =	vld [tilespmem:s14+$0xFFFFFF00];
	v10 =	vbroadcast v0, $0x3;
	v2 =	vmul.f32 v2, v6  }
0x74: {  	v12 =	vld [tilespmem:s14+$0xFFFFFF80];
	v33 =	vbroadcast v0, $0x4;
	v32 =	vmul.f32 v3, v8;
	[tilespmem:s14+$0xFFFFFC00] =	vst v1  }
0x75: {  	v13 =	vld [tilespmem:s14+$0xFFFFFC10];
	v35 =	vbroadcast v0, $0x5;
	v34 =	vmul.f32 v5, v10;
	[tilespmem:s14+$0xFFFFFC80] =	vst v2  }
0x76: {  	v14 =	vld [tilespmem:s14+$0xFFFFFC90];
	v37 =	vbroadcast v0, $0x6;
	v36 =	vmul.f32 v7, v33;
	[tilespmem:s14+$0xFFFFFD00] =	vst v32  }
0x77: {  	v15 =	vld [tilespmem:s14+$0xFFFFFD10];
	v39 =	vbroadcast v0, $0x7;
	v38 =	vmul.f32 v9, v35;
	[tilespmem:s14+$0xFFFFFD80] =	vst v34  }
0x78: {  	v45 =	vld [tilespmem:s14+$0xFFFFFF90];
	v11 =	vmul.f32 v11, v37;
	[tilespmem:s14+$0xFFFFFE00] =	vst v36  }
0x79: {  	v57 =	vld [tilespmem:s14+$0xFFFFFDB0];
	v12 =	vmul.f32 v12, v39;
	[tilespmem:s14+$0xFFFFFE80] =	vst v38  }
0x7a: {  	v60 =	vld [tilespmem:s14+$0xFFFFFF30];
	v13 =	vmul.f32 v13, v4;
	[tilespmem:s14+$0xFFFFFF00] =	vst v11  }
0x7b: {  	v61 =	vld [tilespmem:s14+$0xFFFFFFB0];
	v14 =	vmul.f32 v14, v6;
	[tilespmem:s14+$0xFFFFFF80] =	vst v12  }
0x7c: {  	v63 =	vld [tilespmem:s14+$0x0];
	v44 =	vmul.f32 v15, v8;
	[tilespmem:s14+$0xFFFFFC10] =	vst v13  }
0x7d: {  	v40 =	vld [tilespmem:s14+$0xFFFFFD90];
	v15 =	vmul.f32 v45, v39;
	[tilespmem:s14+$0xFFFFFC90] =	vst v14  }
0x7e: {  	v41 =	vld [tilespmem:s14+$0xFFFFFE10];
	v62 =	vmul.f32 v57, v10;
	[tilespmem:s14+$0xFFFFFD10] =	vst v44  }
0x7f: {  	v42 =	vld [tilespmem:s14+$0xFFFFFE90];
	v17 =	vbroadcast v0, $0x8;
	v16 =	vmul.f32 v60, v37;
	[tilespmem:s14+$0xFFFFFF90] =	vst v15  }
0x80: {  	v43 =	vld [tilespmem:s14+$0xFFFFFF10];
	v19 =	vmul.f32 v61, v39;
	[tilespmem:s14+$0xFFFFFDB0] =	vst v62  }
0x81: {  	v46 =	vld [tilespmem:s14+$0xFFFFFC20];
	v22 =	vmul.f32 v63, v17;
	[tilespmem:s14+$0xFFFFFF30] =	vst v16  }
0x82: {  	v47 =	vld [tilespmem:s14+$0xFFFFFCA0];
	v1 =	vmul.f32 v40, v10;
	[tilespmem:s14+$0xFFFFFFB0] =	vst v19  }
0x83: {  	v52 =	vld [tilespmem:s14+$0xFFFFFF20];
	v2 =	vmul.f32 v41, v33;
	[tilespmem:s14+$0x0] =	vst v22  }
0x84: {  	v54 =	vld [tilespmem:s14+$0xFFFFFC30];
	v11 =	vmul.f32 v42, v35;
	[tilespmem:s14+$0xFFFFFD90] =	vst v1  }
0x85: {  	v18 =	vld [tilespmem:s14+$0x180];
	v12 =	vmul.f32 v43, v37;
	[tilespmem:s14+$0xFFFFFE10] =	vst v2  }
0x86: {  	v48 =	vld [tilespmem:s14+$0xFFFFFD20];
	v14 =	vmul.f32 v46, v4;
	[tilespmem:s14+$0xFFFFFE90] =	vst v11  }
0x87: {  	v49 =	vld [tilespmem:s14+$0xFFFFFDA0];
	v13 =	vmul.f32 v47, v6;
	[tilespmem:s14+$0xFFFFFF10] =	vst v12  }
0x88: {  	v50 =	vld [tilespmem:s14+$0xFFFFFE20];
	v26 =	vbroadcast v0, $0xB;
	v15 =	vmul.f32 v52, v37;
	[tilespmem:s14+$0xFFFFFC20] =	vst v14  }
0x89: {  	v51 =	vld [tilespmem:s14+$0xFFFFFEA0];
	v4 =	vmul.f32 v54, v4;
	[tilespmem:s14+$0xFFFFFCA0] =	vst v13  }
0x8a: {  	v53 =	vld [tilespmem:s14+$0xFFFFFFA0];
	v32 =	vmul.f32 v18, v26;
	[tilespmem:s14+$0xFFFFFF20] =	vst v15  }
0x8b: {  	v31 =	vld [tilespmem:s14+$0x10];
	v1 =	vmul.f32 v48, v8;
	[tilespmem:s14+$0xFFFFFC30] =	vst v4  }
0x8c: {  	v57 =	vld [tilespmem:s14+$0x330];
	v2 =	vmul.f32 v49, v10;
	[tilespmem:s14+$0x180] =	vst v32  }
0x8d: {  	v55 =	vld [tilespmem:s14+$0xFFFFFCB0];
	v11 =	vmul.f32 v50, v33;
	[tilespmem:s14+$0xFFFFFD20] =	vst v1  }
0x8e: {  	v56 =	vld [tilespmem:s14+$0xFFFFFD30];
	v12 =	vmul.f32 v51, v35;
	[tilespmem:s14+$0xFFFFFDA0] =	vst v2  }
0x8f: {  	v58 =	vld [tilespmem:s14+$0xFFFFFE30];
	v36 =	vbroadcast v0, $0xE;
	v14 =	vmul.f32 v53, v39;
	[tilespmem:s14+$0xFFFFFE20] =	vst v11  }
0x90: {  	v59 =	vld [tilespmem:s14+$0xFFFFFEB0];
	v13 =	vmul.f32 v31, v17;
	[tilespmem:s14+$0xFFFFFEA0] =	vst v12  }
0x91: {  	v21 =	vld [tilespmem:s14+$0x200];
	v63 =	vmul.f32 v57, v36;
	[tilespmem:s14+$0xFFFFFFA0] =	vst v14  }
0x92: {  	v54 =	vld [tilespmem:s14+$0x1B0];
	v1 =	vmul.f32 v55, v6;
	[tilespmem:s14+$0x10] =	vst v13  }
0x93: {  	v24 =	vld [tilespmem:s14+$0x280];
	v2 =	vmul.f32 v56, v8;
	[tilespmem:s14+$0x330] =	vst v63  }
0x94: {  	v27 =	vld [tilespmem:s14+$0x300];
	v29 =	vbroadcast v0, $0xC;
	v11 =	vmul.f32 v58, v33;
	[tilespmem:s14+$0xFFFFFCB0] =	vst v1  }
0x95: {  	v34 =	vld [tilespmem:s14+$0x90];
	v14 =	vmul.f32 v59, v35;
	[tilespmem:s14+$0xFFFFFD30] =	vst v2  }
0x96: {  	v37 =	vld [tilespmem:s14+$0x110];
	v33 =	vbroadcast v0, $0xD;
	v35 =	vmul.f32 v21, v29;
	[tilespmem:s14+$0xFFFFFE30] =	vst v11  }
0x97: {  	v38 =	vld [tilespmem:s14+$0x190];
	v60 =	vmul.f32 v54, v26;
	[tilespmem:s14+$0xFFFFFEB0] =	vst v14  }
0x98: {  	v20 =	vbroadcast v0, $0x9;
	v42 =	vld [tilespmem:s14+$0x390];
	v10 =	vmul.f32 v24, v33;
	[tilespmem:s14+$0x200] =	vst v35  }
0x99: {  	v23 =	vbroadcast v0, $0xA;
	v15 =	vld [tilespmem:s14+$0x100];
	v11 =	vmul.f32 v27, v36;
	[tilespmem:s14+$0x1B0] =	vst v60  }
0x9a: {  	v53 =	vld [tilespmem:s14+$0x130];
	v14 =	vmul.f32 v34, v20;
	[tilespmem:s14+$0x280] =	vst v10  }
0x9b: {  	v39 =	vld [tilespmem:s14+$0x210];
	v0 =	vbroadcast v0, $0xF;
	v1 =	vmul.f32 v37, v23;
	[tilespmem:s14+$0x300] =	vst v11  }
0x9c: {  	v40 =	vld [tilespmem:s14+$0x290];
	v2 =	vmul.f32 v38, v26;
	[tilespmem:s14+$0x90] =	vst v14  }
0x9d: {  	v43 =	vld [tilespmem:s14+$0x20];
	v13 =	vmul.f32 v42, v0;
	[tilespmem:s14+$0x110] =	vst v1  }
0x9e: {  	v44 =	vld [tilespmem:s14+$0xA0];
	v28 =	vmul.f32 v15, v23;
	[tilespmem:s14+$0x190] =	vst v2  }
0x9f: {  	v45 =	vld [tilespmem:s14+$0x120];
	v58 =	vmul.f32 v53, v23;
	[tilespmem:s14+$0x390] =	vst v13  }
0xa0: {  	v49 =	vld [tilespmem:s14+$0x320];
	v10 =	vmul.f32 v39, v29;
	[tilespmem:s14+$0x100] =	vst v28  }
0xa1: {  	v12 =	vld [tilespmem:s14+$0x80];
	v11 =	vmul.f32 v40, v33;
	[tilespmem:s14+$0x130] =	vst v58  }
0xa2: {  	v30 =	vld [tilespmem:s14+$0x380];
	v14 =	vmul.f32 v43, v17;
	[tilespmem:s14+$0x210] =	vst v10  }
0xa3: {  	v55 =	vld [tilespmem:s14+$0x230];
	v1 =	vmul.f32 v44, v20;
	[tilespmem:s14+$0x290] =	vst v11  }
0xa4: {  	v56 =	vld [tilespmem:s14+$0x2B0];
	v2 =	vmul.f32 v45, v23;
	[tilespmem:s14+$0x20] =	vst v14  }
0xa5: {  	v46 =	vld [tilespmem:s14+$0x1A0];
	v13 =	vmul.f32 v49, v36;
	[tilespmem:s14+$0xA0] =	vst v1  }
0xa6: {  	v47 =	vld [tilespmem:s14+$0x220];
	v25 =	vmul.f32 v12, v20;
	[tilespmem:s14+$0x120] =	vst v2  }
0xa7: {  	v50 =	vld [tilespmem:s14+$0x3A0];
	v12 =	vmul.f32 v30, v0;
	[tilespmem:s14+$0x320] =	vst v13  }
0xa8: {  	v51 =	vld [tilespmem:s14+$0x30];
	v61 =	vmul.f32 v55, v29;
	[tilespmem:s14+$0x80] =	vst v25  }
0xa9: {  	v52 =	vld [tilespmem:s14+$0xB0];
	v62 =	vmul.f32 v56, v33;
	[tilespmem:s14+$0x380] =	vst v12  }
0xaa: {  	v41 =	vld [tilespmem:s14+$0x310];
	v10 =	vmul.f32 v46, v26;
	[tilespmem:s14+$0x230] =	vst v61  }
0xab: {  	v59 =	vld [tilespmem:s14+$0x3B0];
	v11 =	vmul.f32 v47, v29;
	[tilespmem:s14+$0x2B0] =	vst v62  }
0xac: {  	v48 =	vld [tilespmem:s14+$0x2A0];
	v14 =	vmul.f32 v50, v0;
	[tilespmem:s14+$0x1A0] =	vst v10  }
0xad: {  	v1 =	vmul.f32 v51, v17;
	[tilespmem:s14+$0x220] =	vst v11  }
0xae: {  	p0 =	sne.s32 s13, $0x7C0;
	v2 =	vmul.f32 v52, v20;
	[tilespmem:s14+$0x3A0] =	vst v14  }
.Ltmp1:
0xaf: {  	v12 =	vmul.f32 v41, v36;
	[tilespmem:s14+$0x30] =	vst v1;
	(pc) =	sbr.rel @p0 .LBB2_4-.Ltmp1, $4  }
0xb0: {  	v0 =	vmul.f32 v59, v0;
	[tilespmem:s14+$0xB0] =	vst v2  }
0xb1: {  	[tilespmem:s14+$0x310] =	vst v12;
	v12 =	vmul.f32 v48, v33  }
0xb2: {  	[tilespmem:s14+$0x3B0] =	vst v0  }
0xb3: {  	s13 =	sadd.s32 $0x40, s13;
	[tilespmem:s14+$0x2A0] =	vst v12;
	s14 =	sadd.s32 $0x800, s14  }
0xb4: {  	s12 =	sadd.s32 $0x1, s12  }
0xb5: {  	p0 =	sne.s32 s12, s7  }
.Ltmp2:
0xb6: {  	_ = 	snop;
	(pc) =	sbr.rel @p0 .LBB2_1-.Ltmp2, $4  }
0xb7: {  	[hbm4b:s6+s2] =	stream.linear.scatter [tilespmem:s11], [sflag:$0x2], $0x10000, $0x38;
	[tilespmem:$0x10400] =	vst v63  }
0xb8: {  	_ =	swait.ge [sflag:s8], $0x10000  }
0xb9: {  	[sflag:s8] =	ssyncset.done $0x0  }
0xba: {  	[sflag:s8] =	ssyncadd.s32 $0xFFFF0000  }
0xbb: {  	_ =	sfence.sel $0x180000  }
0xbc: {  	[bflag:$0x0] =	sbarrier.arrive $0xFFFF  }
0xbd: {  	p0 =	sne.s32 s1, $0x0;
	_ =	strace $0x90000047  }
0xbe: {  	s0 =	sadd.s32 @!p0 $0x100000, s0;
	[bflag:$0x2] =	sbarrier.arrive $0xFFFF  }
0xbf: {  	[sflag:s0] =	ssyncadd.tile.s32 @!p0 $0x1;
	_ =	shalt  }
.Lfunc_end2:
_tile_overlayer_lowered:
.L_overlay_start_2:
0xc0: {  	(tag) =	ssettag $0x2  }
0xc1: {  	s0 =	rddreg [dreg:$0x0];
	s2 =	stileid.u32  }
0xc2: {  	s1 =	rddreg [dreg:$0x1];
	p0 =	sne.s32 s2, $0x0  }
0xc3: {  	s3 =	rddreg [dreg:$0x2];
	[bflag:$0x3] =	sbarrier.arrive $0xFFFF;
	s2 =	simm.s32 @!p0 $0x1C02  }
0xc4: {  	[timem:s3], [sflag:s2] =	dma.local @!p0 [hbm:s0], s1  }
0xc5: {  	s0 =	simm.s32 @!p0 $0x2  }
0xc6: {  	_ =	swait.ge @!p0 [sflag:s0], s1  }
0xc7: {  	s1 =	ssub.s32 @!p0 $0x0, s1;
	[sflag:s0] =	ssyncset.done @!p0 $0x0  }
0xc8: {  	[sflag:s0] =	ssyncadd.s32 @!p0 s1  }
0xc9: {  	[bflag:$0x3] =	sbarrier.arrive $0xFFFF  }
0xca: {  	_ =	shalt  }

</sc_bundles>
